<compile_context>
chip_gen: v7x
topology: tpu7x:2x2x1
jax: 0.10.2.dev20260603
libtpu: 0.0.44.dev20260713+nightly
codegen_flags: <defaults>
</compile_context>

<pallas_src>
import functools

import jax
import jax.numpy as jnp
from jax import lax
from jax.experimental import pallas as pl
from jax.experimental.pallas import tpu as pltpu
from jax.experimental.pallas import tpu_sc as plsc

N = 10000
E = 160000
IN = 32
OUT = 32
EDIM = 16
H = 32

NB = 2000


def _t_kernel(x_ref, w_ref, t_ref):
    t_ref[...] = jnp.dot(x_ref[...], w_ref[...],
                         preferred_element_type=jnp.float32)


def _node_kernel(x_ref, agg_ref, wroot_ref, wih_t_ref, whh_t_ref,
                 bconv_ref, bih_ref, bhh_ref, out_ref, h_ref):
    x = x_ref[...]
    agg = agg_ref[0] + agg_ref[1]
    xc = jnp.dot(x, wroot_ref[...], preferred_element_type=jnp.float32)
    xc = xc + agg + bconv_ref[...]
    xc = jnp.where(xc > 0, xc, jnp.exp(xc) - 1.0)
    gi = jnp.dot(xc, wih_t_ref[...], preferred_element_type=jnp.float32)
    gi = gi + bih_ref[...]
    gh = jnp.dot(x, whh_t_ref[...], preferred_element_type=jnp.float32)
    gh = gh + bhh_ref[...]
    i_r, i_z, i_n = gi[:, 0:H], gi[:, H:2 * H], gi[:, 2 * H:3 * H]
    h_r, h_z, h_n = gh[:, 0:H], gh[:, H:2 * H], gh[:, 2 * H:3 * H]
    r = 1.0 / (1.0 + jnp.exp(-(i_r + h_r)))
    z = 1.0 / (1.0 + jnp.exp(-(i_z + h_z)))
    n = jnp.tanh(i_n + r * h_n)
    h_new = (1.0 - z) * n + z * x
    h_ref[...] = h_new
    out_ref[...] = jnp.maximum(h_new + x, 0.0)


def _compute_t(x, w2cat):
    return pl.pallas_call(
        _t_kernel,
        grid=(N // NB,),
        in_specs=[
            pl.BlockSpec((NB, IN), lambda i: (i, 0)),
            pl.BlockSpec((IN, EDIM * OUT), lambda i: (0, 0)),
        ],
        out_specs=pl.BlockSpec((NB, EDIM * OUT), lambda i: (i, 0)),
        out_shape=jax.ShapeDtypeStruct((N, EDIM * OUT), jnp.float32),
    )(x, w2cat)


def _node_stage(x, agg2, w_root, wih_t, whh_t, b_conv, b_ih, b_hh):
    return pl.pallas_call(
        _node_kernel,
        grid=(N // NB,),
        in_specs=[
            pl.BlockSpec((NB, IN), lambda i: (i, 0)),
            pl.BlockSpec((2, NB, OUT), lambda i: (0, i, 0)),
            pl.BlockSpec((IN, OUT), lambda i: (0, 0)),
            pl.BlockSpec((OUT, 3 * H), lambda i: (0, 0)),
            pl.BlockSpec((H, 3 * H), lambda i: (0, 0)),
            pl.BlockSpec((1, OUT), lambda i: (0, 0)),
            pl.BlockSpec((1, 3 * H), lambda i: (0, 0)),
            pl.BlockSpec((1, 3 * H), lambda i: (0, 0)),
        ],
        out_specs=[
            pl.BlockSpec((NB, OUT), lambda i: (i, 0)),
            pl.BlockSpec((NB, H), lambda i: (i, 0)),
        ],
        out_shape=[
            jax.ShapeDtypeStruct((N, OUT), jnp.float32),
            jax.ShapeDtypeStruct((N, H), jnp.float32),
        ],
    )(x, agg2, w_root, wih_t, whh_t, b_conv, b_ih, b_hh)


NCORES = 2
NSUB = 16
NTILES = NCORES * NSUB
TPE = E // NTILES
EC = 40
NCHUNK = TPE // EC
NPAD = 10240
NPT = NPAD // NSUB
TW = EDIM * OUT


def _edge_sc_body(t_hbm, ea_hbm, src_hbm, dst_hbm, zeros_hbm, out_hbm,
                  srcbuf, dstbuf, eabuf, trows, msgbuf, agg_sh, sem):
    c = lax.axis_index("c")
    s = lax.axis_index("s")
    base = (c * NSUB + s) * TPE

    pltpu.sync_copy(zeros_hbm.at[pl.ds(s * NPT, NPT)],
                    agg_sh.at[pl.ds(s * NPT, NPT)])
    plsc.subcore_barrier()

    def chunk_body(k, carry):
        e0 = base + k * EC
        pltpu.sync_copy(src_hbm.at[pl.ds(e0, EC)], srcbuf)
        pltpu.sync_copy(dst_hbm.at[pl.ds(e0, EC)], dstbuf)
        pltpu.sync_copy(ea_hbm.at[pl.ds(e0, EC)], eabuf)
        for j in range(EC):
            msgbuf[j, 0:16] = trows[j, 0:16]
            msgbuf[j, 16:32] = trows[j, 16:32]
        pltpu.sync_copy(msgbuf, agg_sh.at[dstbuf], add=True)
        return carry

    lax.fori_loop(0, NCHUNK, chunk_body, 0)
    plsc.subcore_barrier()
    pltpu.sync_copy(agg_sh.at[pl.ds(s * NPT, NPT)],
                    out_hbm.at[c, pl.ds(s * NPT, NPT)])


def _edge_stage(t_mat, edge_attr, src, dst):
    zeros = jnp.zeros((NPAD, OUT), jnp.float32)
    mesh = plsc.VectorSubcoreMesh(core_axis_name="c", subcore_axis_name="s")
    run = functools.partial(
        pl.kernel,
        mesh=mesh,
        out_type=jax.ShapeDtypeStruct((NCORES, NPAD, OUT), jnp.float32),
        scratch_types=[
            pltpu.VMEM((EC,), jnp.int32),
            pltpu.VMEM((EC,), jnp.int32),
            pltpu.VMEM((EC, EDIM), jnp.float32),
            pltpu.VMEM((EC, TW), jnp.float32),
            pltpu.VMEM((EC, OUT), jnp.float32),
            pltpu.VMEM_SHARED((NPAD, OUT), jnp.float32),
            pltpu.SemaphoreType.DMA,
        ],
    )(_edge_sc_body)
    return run(t_mat, edge_attr, src, dst, zeros)[:, :N, :]


def kernel(x, edge_index, edge_attr, W_nn, b_nn, W_root, b_conv,
           W_ih, W_hh, b_ih, b_hh):
    src = edge_index[0]
    dst = edge_index[1]
    w2cat = W_nn.reshape(EDIM, IN, OUT).transpose(1, 0, 2).reshape(
        IN, EDIM * OUT)
    t_mat = _compute_t(x, w2cat)
    agg2 = _edge_stage(t_mat, edge_attr, src, dst)
    out, h_new = _node_stage(
        x, agg2, W_root,
        W_ih.T, W_hh.T,
        b_conv.reshape(1, OUT), b_ih.reshape(1, 3 * H),
        b_hh.reshape(1, 3 * H))
    return (out, h_new[None, :, :])

# --- scband reference (transcript-rebuilt; emitter-appended) ---
"""Pipeline reference for scband-message-block-16784732193373 (READ-ONLY COPY).

The authoritative reference and input builder live on the scoring server;
editing this copy changes nothing except your own understanding.
"""

import jax, jax.numpy as jnp
import numpy as np

N = 10000
E = 160000
IN = 32
OUT = 32
EDIM = 16
H = 32  # GRU hidden == out_dim


def setup_inputs(seed: int = 0) -> dict:
    key = jax.random.key(seed)
    ks = jax.random.split(key, 10)
    x = jax.random.normal(ks[0], (N, IN), dtype=jnp.float32)
    edge_index = jax.random.randint(ks[1], (2, E), 0, N)
    edge_attr = jax.random.normal(ks[2], (E, EDIM), dtype=jnp.float32)
    # NNConv edge MLP: Linear(EDIM -> IN*OUT)
    W_nn = jax.random.normal(ks[3], (EDIM, IN * OUT), dtype=jnp.float32) / jnp.sqrt(EDIM)
    b_nn = jnp.zeros((IN * OUT,), dtype=jnp.float32)
    # NNConv root weight + bias
    W_root = jax.random.normal(ks[4], (IN, OUT), dtype=jnp.float32) / jnp.sqrt(IN)
    b_conv = jnp.zeros((OUT,), dtype=jnp.float32)
    # GRU(input_size=OUT, hidden_size=H) single layer weights (torch layout)
    W_ih = jax.random.normal(ks[5], (3 * H, OUT), dtype=jnp.float32) / jnp.sqrt(OUT)
    W_hh = jax.random.normal(ks[6], (3 * H, H), dtype=jnp.float32) / jnp.sqrt(H)
    b_ih = jnp.zeros((3 * H,), dtype=jnp.float32)
    b_hh = jnp.zeros((3 * H,), dtype=jnp.float32)
    return {"x": x, "edge_index": edge_index, "edge_attr": edge_attr,
            "W_nn": W_nn, "b_nn": b_nn, "W_root": W_root, "b_conv": b_conv,
            "W_ih": W_ih, "W_hh": W_hh, "b_ih": b_ih, "b_hh": b_hh}


def reference(x, edge_index, edge_attr, W_nn, b_nn, W_root, b_conv, W_ih, W_hh, b_ih, b_hh):
    identity = x
    h0 = x[None, :, :]  # h=None -> h = x.unsqueeze(0)
    # norm = _None -> identity; Dropout in eval mode -> identity
    src = edge_index[0]
    dst = edge_index[1]
    # NNConv: per-edge weight matrix from edge MLP
    We = (edge_attr @ W_nn + b_nn).reshape(E, IN, OUT)
    msg = jnp.einsum('ei,eio->eo', x[src], We)
    agg = jax.ops.segment_sum(msg, dst, num_segments=N)  # aggr='add'
    xc = x @ W_root + agg + b_conv
    # celu before GRU
    xc = jax.nn.celu(xc)
    # single-step GRU (torch semantics)
    h_prev = h0[0]
    gi = xc @ W_ih.T + b_ih
    gh = h_prev @ W_hh.T + b_hh
    i_r, i_z, i_n = jnp.split(gi, 3, axis=-1)
    h_r, h_z, h_n = jnp.split(gh, 3, axis=-1)
    r = jax.nn.sigmoid(i_r + h_r)
    z = jax.nn.sigmoid(i_z + h_z)
    n = jnp.tanh(i_n + r * h_n)
    h_new = (1.0 - z) * n + z * h_prev
    out = h_new  # out.squeeze(0)
    out = out + identity  # res=True
    out = jax.nn.relu(out)  # act
    return (out, h_new[None, :, :])

if __name__ == "__main__":
    import jax
    _d = setup_inputs()
    print(jax.jit(kernel)(*tuple(_d.values())))

</pallas_src>

<mosaic_0001>
#map = affine_map<(d0, d1) -> (0, 0)>
#map1 = affine_map<(d0, d1) -> (0)>
#map2 = affine_map<(d0, d1) -> (0, 0, 0)>
module attributes {stable_mosaic.version = 14 : i64} {
  func.func @_edge_sc_body(%arg0: i32, %arg1: i32, %arg2: memref<10000x512xf32, #tpu.memory_space<hbm>>, %arg3: memref<160000x16xf32, #tpu.memory_space<hbm>>, %arg4: memref<160000xi32, #tpu.memory_space<hbm>>, %arg5: memref<160000xi32, #tpu.memory_space<hbm>>, %arg6: memref<10240x32xf32, #tpu.memory_space<hbm>>, %arg7: memref<2x10240x32xf32, #tpu.memory_space<hbm>>, %arg8: memref<40xi32, #tpu.memory_space<vmem>>, %arg9: memref<40xi32, #tpu.memory_space<vmem>>, %arg10: memref<40x16xf32, #tpu.memory_space<vmem>>, %arg11: memref<40x512xf32, #tpu.memory_space<vmem>>, %arg12: memref<40x32xf32, #tpu.memory_space<vmem>>, %arg13: memref<10240x32xf32, #tpu.memory_space<vmem_shared>>, %arg14: memref<!tpu.dma_semaphore, #tpu.memory_space<semaphore_mem>>) attributes {dimension_semantics = [#tpu.dimension_semantics<core_parallel>, #tpu.dimension_semantics<subcore_parallel>], iteration_bounds = array<i64: 2, 16>, scalar_prefetch = 0 : i64, scratch_operands = 7 : i64, tpu.core_type = #tpu.core_type<sc_vector_subcore>, window_params = [{transform_indices = #map}, {transform_indices = #map}, {transform_indices = #map1}, {transform_indices = #map1}, {transform_indices = #map}, {transform_indices = #map2}]} {
    %mul3A = arith.constant 16 : i32
    %mul3A_0 = arith.muli %arg0, %mul3A : i32
    %add3A = arith.addi %mul3A_0, %arg1 : i32
    %mul3A_1 = arith.constant 5000 : i32
    %mul3A_2 = arith.muli %add3A, %mul3A_1 : i32
    %mul3A_3 = arith.constant 640 : i32
    %mul3A_4 = arith.muli %arg1, %mul3A_3 : i32
    %mul3A_5 = arith.constant 640 : i32
    %mul3A_6 = arith.muli %arg1, %mul3A_5 : i32
    "tpu.region"() ({
      %run_scoped3A = tpu.sem_alloc : memref<!tpu.dma_semaphore, #tpu.memory_space<semaphore_mem>>
      %dma_start3A = arith.constant 0 : i32
      %dma_start3A_17 = tpu.memref_slice %arg13[%mul3A_6, %dma_start3A] : memref<10240x32xf32, #tpu.memory_space<vmem_shared>> -> memref<640x32xf32, #tpu.memory_space<vmem_shared>>
      %dma_start3A_18 = arith.constant 0 : i32
      %dma_start3A_19 = tpu.memref_slice %arg6[%mul3A_4, %dma_start3A_18] : memref<10240x32xf32, #tpu.memory_space<hbm>> -> memref<640x32xf32, #tpu.memory_space<hbm>>
      tpu.enqueue_dma source(%dma_start3A_19 : memref<640x32xf32, #tpu.memory_space<hbm>>) target(%dma_start3A_17 : memref<640x32xf32, #tpu.memory_space<vmem_shared>>) target_semaphore(%run_scoped3A : memref<!tpu.dma_semaphore, #tpu.memory_space<semaphore_mem>>)
      %dma_wait3A = arith.constant 0 : i32
      %dma_wait3A_20 = tpu.memref_slice %arg13[%mul3A_6, %dma_wait3A] : memref<10240x32xf32, #tpu.memory_space<vmem_shared>> -> memref<640x32xf32, #tpu.memory_space<vmem_shared>>
      %dma_wait3A_21 = arith.constant 0 : i32
      %dma_wait3A_22 = tpu.memref_slice %arg6[%mul3A_4, %dma_wait3A_21] : memref<10240x32xf32, #tpu.memory_space<hbm>> -> memref<640x32xf32, #tpu.memory_space<hbm>>
      tpu.wait_dma2 semaphore(%run_scoped3A : memref<!tpu.dma_semaphore, #tpu.memory_space<semaphore_mem>>) src(%dma_wait3A_22 : memref<640x32xf32, #tpu.memory_space<hbm>>) dst(%dma_wait3A_20 : memref<640x32xf32, #tpu.memory_space<vmem_shared>>)
      tpu.yield
    }) : () -> ()
    %barrier3A = arith.constant 0 : index
    tpu.barrier barrier_id(%barrier3A)
    %scan3A = arith.constant 0 : i32
    %scan3A_7 = arith.constant 0 : i32
    %scan3A_8 = arith.constant 125 : i32
    %scan3A_9 = arith.addi %scan3A_7, %scan3A_8 : i32
    %scan3A_10 = arith.constant 1 : i32
    scf.for %scan3A_17 = %scan3A_7 to %scan3A_9 step %scan3A_10  : i32 {
      %mul3A_18 = arith.constant 40 : i32
      %mul3A_19 = arith.muli %scan3A_17, %mul3A_18 : i32
      %add3A_20 = arith.addi %mul3A_2, %mul3A_19 : i32
      "tpu.region"() ({
        %run_scoped3A = tpu.sem_alloc : memref<!tpu.dma_semaphore, #tpu.memory_space<semaphore_mem>>
        %dma_start3A = tpu.memref_slice %arg4[%add3A_20] : memref<160000xi32, #tpu.memory_space<hbm>> -> memref<40xi32, #tpu.memory_space<hbm>>
        %dma_start3A_899 = tpu.memref_slice %arg4[%add3A_20] : memref<160000xi32, #tpu.memory_space<hbm>> -> memref<40xi32, #tpu.memory_space<hbm>>
        tpu.enqueue_dma source(%dma_start3A_899 : memref<40xi32, #tpu.memory_space<hbm>>) target(%arg8 : memref<40xi32, #tpu.memory_space<vmem>>) target_semaphore(%run_scoped3A : memref<!tpu.dma_semaphore, #tpu.memory_space<semaphore_mem>>)
        %dma_wait3A = tpu.memref_slice %arg4[%add3A_20] : memref<160000xi32, #tpu.memory_space<hbm>> -> memref<40xi32, #tpu.memory_space<hbm>>
        %dma_wait3A_900 = tpu.memref_slice %arg4[%add3A_20] : memref<160000xi32, #tpu.memory_space<hbm>> -> memref<40xi32, #tpu.memory_space<hbm>>
        tpu.wait_dma2 semaphore(%run_scoped3A : memref<!tpu.dma_semaphore, #tpu.memory_space<semaphore_mem>>) src(%dma_wait3A_900 : memref<40xi32, #tpu.memory_space<hbm>>) dst(%arg8 : memref<40xi32, #tpu.memory_space<vmem>>)
        tpu.yield
      }) : () -> ()
      "tpu.region"() ({
        %run_scoped3A = tpu.sem_alloc : memref<!tpu.dma_semaphore, #tpu.memory_space<semaphore_mem>>
        %dma_start3A = tpu.memref_slice %arg5[%add3A_20] : memref<160000xi32, #tpu.memory_space<hbm>> -> memref<40xi32, #tpu.memory_space<hbm>>
        %dma_start3A_899 = tpu.memref_slice %arg5[%add3A_20] : memref<160000xi32, #tpu.memory_space<hbm>> -> memref<40xi32, #tpu.memory_space<hbm>>
        tpu.enqueue_dma source(%dma_start3A_899 : memref<40xi32, #tpu.memory_space<hbm>>) target(%arg9 : memref<40xi32, #tpu.memory_space<vmem>>) target_semaphore(%run_scoped3A : memref<!tpu.dma_semaphore, #tpu.memory_space<semaphore_mem>>)
        %dma_wait3A = tpu.memref_slice %arg5[%add3A_20] : memref<160000xi32, #tpu.memory_space<hbm>> -> memref<40xi32, #tpu.memory_space<hbm>>
        %dma_wait3A_900 = tpu.memref_slice %arg5[%add3A_20] : memref<160000xi32, #tpu.memory_space<hbm>> -> memref<40xi32, #tpu.memory_space<hbm>>
        tpu.wait_dma2 semaphore(%run_scoped3A : memref<!tpu.dma_semaphore, #tpu.memory_space<semaphore_mem>>) src(%dma_wait3A_900 : memref<40xi32, #tpu.memory_space<hbm>>) dst(%arg9 : memref<40xi32, #tpu.memory_space<vmem>>)
        tpu.yield
      }) : () -> ()
      "tpu.region"() ({
        %run_scoped3A = tpu.sem_alloc : memref<!tpu.dma_semaphore, #tpu.memory_space<semaphore_mem>>
        %dma_start3A = arith.constant 0 : i32
        %dma_start3A_899 = tpu.memref_slice %arg3[%add3A_20, %dma_start3A] : memref<160000x16xf32, #tpu.memory_space<hbm>> -> memref<40x16xf32, #tpu.memory_space<hbm>>
        %dma_start3A_900 = arith.constant 0 : i32
        %dma_start3A_901 = tpu.memref_slice %arg3[%add3A_20, %dma_start3A_900] : memref<160000x16xf32, #tpu.memory_space<hbm>> -> memref<40x16xf32, #tpu.memory_space<hbm>>
        tpu.enqueue_dma source(%dma_start3A_901 : memref<40x16xf32, #tpu.memory_space<hbm>>) target(%arg10 : memref<40x16xf32, #tpu.memory_space<vmem>>) target_semaphore(%run_scoped3A : memref<!tpu.dma_semaphore, #tpu.memory_space<semaphore_mem>>)
        %dma_wait3A = arith.constant 0 : i32
        %dma_wait3A_902 = tpu.memref_slice %arg3[%add3A_20, %dma_wait3A] : memref<160000x16xf32, #tpu.memory_space<hbm>> -> memref<40x16xf32, #tpu.memory_space<hbm>>
        %dma_wait3A_903 = arith.constant 0 : i32
        %dma_wait3A_904 = tpu.memref_slice %arg3[%add3A_20, %dma_wait3A_903] : memref<160000x16xf32, #tpu.memory_space<hbm>> -> memref<40x16xf32, #tpu.memory_space<hbm>>
        tpu.wait_dma2 semaphore(%run_scoped3A : memref<!tpu.dma_semaphore, #tpu.memory_space<semaphore_mem>>) src(%dma_wait3A_904 : memref<40x16xf32, #tpu.memory_space<hbm>>) dst(%arg10 : memref<40x16xf32, #tpu.memory_space<vmem>>)
        tpu.yield
      }) : () -> ()
      %get3A = arith.constant 0 : i32
      %get3A_21 = arith.index_cast %get3A : i32 to index
      %get3A_22 = arith.constant 0 : index
      %get3A_23 = tpu.vector_load %arg11[%get3A_21, %get3A_22] {strides = array<i32>} : memref<40x512xf32, #tpu.memory_space<vmem>>, vector<1x16xf32>,
      %get3A_24 = vector.shape_cast %get3A_23 : vector<1x16xf32> to vector<16xf32>
      %swap3A = arith.constant 0 : i32
      %swap3A_25 = arith.index_cast %swap3A : i32 to index
      %swap3A_26 = arith.constant 0 : index
      %swap3A_27 = tpu.vector_load %arg12[%swap3A_25, %swap3A_26] {strides = array<i32>} : memref<40x32xf32, #tpu.memory_space<vmem>>, vector<1x16xf32>,
      %swap3A_28 = vector.shape_cast %swap3A_27 : vector<1x16xf32> to vector<16xf32>
      %swap3A_29 = vector.shape_cast %get3A_24 : vector<16xf32> to vector<1x16xf32>
      tpu.vector_store %arg12[%swap3A_25, %swap3A_26], %swap3A_29 {strides = array<i32>} : memref<40x32xf32, #tpu.memory_space<vmem>>, vector<1x16xf32>,
      %get3A_30 = arith.constant 0 : i32
      %get3A_31 = arith.index_cast %get3A_30 : i32 to index
      %get3A_32 = arith.constant 16 : index
      %get3A_33 = tpu.vector_load %arg11[%get3A_31, %get3A_32] {strides = array<i32>} : memref<40x512xf32, #tpu.memory_space<vmem>>, vector<1x16xf32>,
      %get3A_34 = vector.shape_cast %get3A_33 : vector<1x16xf32> to vector<16xf32>
      %swap3A_35 = arith.constant 0 : i32
      %swap3A_36 = arith.index_cast %swap3A_35 : i32 to index
      %swap3A_37 = arith.constant 16 : index
      %swap3A_38 = tpu.vector_load %arg12[%swap3A_36, %swap3A_37] {strides = array<i32>} : memref<40x32xf32, #tpu.memory_space<vmem>>, vector<1x16xf32>,
      %swap3A_39 = vector.shape_cast %swap3A_38 : vector<1x16xf32> to vector<16xf32>
      %swap3A_40 = vector.shape_cast %get3A_34 : vector<16xf32> to vector<1x16xf32>
      tpu.vector_store %arg12[%swap3A_36, %swap3A_37], %swap3A_40 {strides = array<i32>} : memref<40x32xf32, #tpu.memory_space<vmem>>, vector<1x16xf32>,
      %get3A_41 = arith.constant 1 : i32
      %get3A_42 = arith.index_cast %get3A_41 : i32 to index
      %get3A_43 = arith.constant 0 : index
      %get3A_44 = tpu.vector_load %arg11[%get3A_42, %get3A_43] {strides = array<i32>} : memref<40x512xf32, #tpu.memory_space<vmem>>, vector<1x16xf32>,
      %get3A_45 = vector.shape_cast %get3A_44 : vector<1x16xf32> to vector<16xf32>
      %swap3A_46 = arith.constant 1 : i32
      %swap3A_47 = arith.index_cast %swap3A_46 : i32 to index
      %swap3A_48 = arith.constant 0 : index
      %swap3A_49 = tpu.vector_load %arg12[%swap3A_47, %swap3A_48] {strides = array<i32>} : memref<40x32xf32, #tpu.memory_space<vmem>>, vector<1x16xf32>,
      %swap3A_50 = vector.shape_cast %swap3A_49 : vector<1x16xf32> to vector<16xf32>
      %swap3A_51 = vector.shape_cast %get3A_45 : vector<16xf32> to vector<1x16xf32>
      tpu.vector_store %arg12[%swap3A_47, %swap3A_48], %swap3A_51 {strides = array<i32>} : memref<40x32xf32, #tpu.memory_space<vmem>>, vector<1x16xf32>,
      %get3A_52 = arith.constant 1 : i32
      %get3A_53 = arith.index_cast %get3A_52 : i32 to index
      %get3A_54 = arith.constant 16 : index
      %get3A_55 = tpu.vector_load %arg11[%get3A_53, %get3A_54] {strides = array<i32>} : memref<40x512xf32, #tpu.memory_space<vmem>>, vector<1x16xf32>,
      %get3A_56 = vector.shape_cast %get3A_55 : vector<1x16xf32> to vector<16xf32>
      %swap3A_57 = arith.constant 1 : i32
      %swap3A_58 = arith.index_cast %swap3A_57 : i32 to index
      %swap3A_59 = arith.constant 16 : index
      %swap3A_60 = tpu.vector_load %arg12[%swap3A_58, %swap3A_59] {strides = array<i32>} : memref<40x32xf32, #tpu.memory_space<vmem>>, vector<1x16xf32>,
      %swap3A_61 = vector.shape_cast %swap3A_60 : vector<1x16xf32> to vector<16xf32>
      %swap3A_62 = vector.shape_cast %get3A_56 : vector<16xf32> to vector<1x16xf32>
      tpu.vector_store %arg12[%swap3A_58, %swap3A_59], %swap3A_62 {strides = array<i32>} : memref<40x32xf32, #tpu.memory_space<vmem>>, vector<1x16xf32>,
      %get3A_63 = arith.constant 2 : i32
      %get3A_64 = arith.index_cast %get3A_63 : i32 to index
      %get3A_65 = arith.constant 0 : index
      %get3A_66 = tpu.vector_load %arg11[%get3A_64, %get3A_65] {strides = array<i32>} : memref<40x512xf32, #tpu.memory_space<vmem>>, vector<1x16xf32>,
      %get3A_67 = vector.shape_cast %get3A_66 : vector<1x16xf32> to vector<16xf32>
      %swap3A_68 = arith.constant 2 : i32
      %swap3A_69 = arith.index_cast %swap3A_68 : i32 to index
      %swap3A_70 = arith.constant 0 : index
      %swap3A_71 = tpu.vector_load %arg12[%swap3A_69, %swap3A_70] {strides = array<i32>} : memref<40x32xf32, #tpu.memory_space<vmem>>, vector<1x16xf32>,
      %swap3A_72 = vector.shape_cast %swap3A_71 : vector<1x16xf32> to vector<16xf32>
      %swap3A_73 = vector.shape_cast %get3A_67 : vector<16xf32> to vector<1x16xf32>
      tpu.vector_store %arg12[%swap3A_69, %swap3A_70], %swap3A_73 {strides = array<i32>} : memref<40x32xf32, #tpu.memory_space<vmem>>, vector<1x16xf32>,
      %get3A_74 = arith.constant 2 : i32
      %get3A_75 = arith.index_cast %get3A_74 : i32 to index
      %get3A_76 = arith.constant 16 : index
      %get3A_77 = tpu.vector_load %arg11[%get3A_75, %get3A_76] {strides = array<i32>} : memref<40x512xf32, #tpu.memory_space<vmem>>, vector<1x16xf32>,
      %get3A_78 = vector.shape_cast %get3A_77 : vector<1x16xf32> to vector<16xf32>
      %swap3A_79 = arith.constant 2 : i32
      %swap3A_80 = arith.index_cast %swap3A_79 : i32 to index
      %swap3A_81 = arith.constant 16 : index
      %swap3A_82 = tpu.vector_load %arg12[%swap3A_80, %swap3A_81] {strides = array<i32>} : memref<40x32xf32, #tpu.memory_space<vmem>>, vector<1x16xf32>,
      %swap3A_83 = vector.shape_cast %swap3A_82 : vector<1x16xf32> to vector<16xf32>
      %swap3A_84 = vector.shape_cast %get3A_78 : vector<16xf32> to vector<1x16xf32>
      tpu.vector_store %arg12[%swap3A_80, %swap3A_81], %swap3A_84 {strides = array<i32>} : memref<40x32xf32, #tpu.memory_space<vmem>>, vector<1x16xf32>,
      %get3A_85 = arith.constant 3 : i32
      %get3A_86 = arith.index_cast %get3A_85 : i32 to index
      %get3A_87 = arith.constant 0 : index
      %get3A_88 = tpu.vector_load %arg11[%get3A_86, %get3A_87] {strides = array<i32>} : memref<40x512xf32, #tpu.memory_space<vmem>>, vector<1x16xf32>,
      %get3A_89 = vector.shape_cast %get3A_88 : vector<1x16xf32> to vector<16xf32>
      %swap3A_90 = arith.constant 3 : i32
      %swap3A_91 = arith.index_cast %swap3A_90 : i32 to index
      %swap3A_92 = arith.constant 0 : index
      %swap3A_93 = tpu.vector_load %arg12[%swap3A_91, %swap3A_92] {strides = array<i32>} : memref<40x32xf32, #tpu.memory_space<vmem>>, vector<1x16xf32>,
      %swap3A_94 = vector.shape_cast %swap3A_93 : vector<1x16xf32> to vector<16xf32>
      %swap3A_95 = vector.shape_cast %get3A_89 : vector<16xf32> to vector<1x16xf32>
      tpu.vector_store %arg12[%swap3A_91, %swap3A_92], %swap3A_95 {strides = array<i32>} : memref<40x32xf32, #tpu.memory_space<vmem>>, vector<1x16xf32>,
      %get3A_96 = arith.constant 3 : i32
      %get3A_97 = arith.index_cast %get3A_96 : i32 to index
      %get3A_98 = arith.constant 16 : index
      %get3A_99 = tpu.vector_load %arg11[%get3A_97, %get3A_98] {strides = array<i32>} : memref<40x512xf32, #tpu.memory_space<vmem>>, vector<1x16xf32>,
      %get3A_100 = vector.shape_cast %get3A_99 : vector<1x16xf32> to vector<16xf32>
      %swap3A_101 = arith.constant 3 : i32
      %swap3A_102 = arith.index_cast %swap3A_101 : i32 to index
      %swap3A_103 = arith.constant 16 : index
      %swap3A_104 = tpu.vector_load %arg12[%swap3A_102, %swap3A_103] {strides = array<i32>} : memref<40x32xf32, #tpu.memory_space<vmem>>, vector<1x16xf32>,
      %swap3A_105 = vector.shape_cast %swap3A_104 : vector<1x16xf32> to vector<16xf32>
      %swap3A_106 = vector.shape_cast %get3A_100 : vector<16xf32> to vector<1x16xf32>
      tpu.vector_store %arg12[%swap3A_102, %swap3A_103], %swap3A_106 {strides = array<i32>} : memref<40x32xf32, #tpu.memory_space<vmem>>, vector<1x16xf32>,
      %get3A_107 = arith.constant 4 : i32
      %get3A_108 = arith.index_cast %get3A_107 : i32 to index
      %get3A_109 = arith.constant 0 : index
      %get3A_110 = tpu.vector_load %arg11[%get3A_108, %get3A_109] {strides = array<i32>} : memref<40x512xf32, #tpu.memory_space<vmem>>, vector<1x16xf32>,
      %get3A_111 = vector.shape_cast %get3A_110 : vector<1x16xf32> to vector<16xf32>
      %swap3A_112 = arith.constant 4 : i32
      %swap3A_113 = arith.index_cast %swap3A_112 : i32 to index
      %swap3A_114 = arith.constant 0 : index
      %swap3A_115 = tpu.vector_load %arg12[%swap3A_113, %swap3A_114] {strides = array<i32>} : memref<40x32xf32, #tpu.memory_space<vmem>>, vector<1x16xf32>,
      %swap3A_116 = vector.shape_cast %swap3A_115 : vector<1x16xf32> to vector<16xf32>
      %swap3A_117 = vector.shape_cast %get3A_111 : vector<16xf32> to vector<1x16xf32>
      tpu.vector_store %arg12[%swap3A_113, %swap3A_114], %swap3A_117 {strides = array<i32>} : memref<40x32xf32, #tpu.memory_space<vmem>>, vector<1x16xf32>,
      %get3A_118 = arith.constant 4 : i32
      %get3A_119 = arith.index_cast %get3A_118 : i32 to index
      %get3A_120 = arith.constant 16 : index
      %get3A_121 = tpu.vector_load %arg11[%get3A_119, %get3A_120] {strides = array<i32>} : memref<40x512xf32, #tpu.memory_space<vmem>>, vector<1x16xf32>,
      %get3A_122 = vector.shape_cast %get3A_121 : vector<1x16xf32> to vector<16xf32>
      %swap3A_123 = arith.constant 4 : i32
      %swap3A_124 = arith.index_cast %swap3A_123 : i32 to index
      %swap3A_125 = arith.constant 16 : index
      %swap3A_126 = tpu.vector_load %arg12[%swap3A_124, %swap3A_125] {strides = array<i32>} : memref<40x32xf32, #tpu.memory_space<vmem>>, vector<1x16xf32>,
      %swap3A_127 = vector.shape_cast %swap3A_126 : vector<1x16xf32> to vector<16xf32>
      %swap3A_128 = vector.shape_cast %get3A_122 : vector<16xf32> to vector<1x16xf32>
      tpu.vector_store %arg12[%swap3A_124, %swap3A_125], %swap3A_128 {strides = array<i32>} : memref<40x32xf32, #tpu.memory_space<vmem>>, vector<1x16xf32>,
      %get3A_129 = arith.constant 5 : i32
      %get3A_130 = arith.index_cast %get3A_129 : i32 to index
      %get3A_131 = arith.constant 0 : index
      %get3A_132 = tpu.vector_load %arg11[%get3A_130, %get3A_131] {strides = array<i32>} : memref<40x512xf32, #tpu.memory_space<vmem>>, vector<1x16xf32>,
      %get3A_133 = vector.shape_cast %get3A_132 : vector<1x16xf32> to vector<16xf32>
      %swap3A_134 = arith.constant 5 : i32
      %swap3A_135 = arith.index_cast %swap3A_134 : i32 to index
      %swap3A_136 = arith.constant 0 : index
      %swap3A_137 = tpu.vector_load %arg12[%swap3A_135, %swap3A_136] {strides = array<i32>} : memref<40x32xf32, #tpu.memory_space<vmem>>, vector<1x16xf32>,
      %swap3A_138 = vector.shape_cast %swap3A_137 : vector<1x16xf32> to vector<16xf32>
      %swap3A_139 = vector.shape_cast %get3A_133 : vector<16xf32> to vector<1x16xf32>
      tpu.vector_store %arg12[%swap3A_135, %swap3A_136], %swap3A_139 {strides = array<i32>} : memref<40x32xf32, #tpu.memory_space<vmem>>, vector<1x16xf32>,
      %get3A_140 = arith.constant 5 : i32
      %get3A_141 = arith.index_cast %get3A_140 : i32 to index
      %get3A_142 = arith.constant 16 : index
      %get3A_143 = tpu.vector_load %arg11[%get3A_141, %get3A_142] {strides = array<i32>} : memref<40x512xf32, #tpu.memory_space<vmem>>, vector<1x16xf32>,
      %get3A_144 = vector.shape_cast %get3A_143 : vector<1x16xf32> to vector<16xf32>
      %swap3A_145 = arith.constant 5 : i32
      %swap3A_146 = arith.index_cast %swap3A_145 : i32 to index
      %swap3A_147 = arith.constant 16 : index
      %swap3A_148 = tpu.vector_load %arg12[%swap3A_146, %swap3A_147] {strides = array<i32>} : memref<40x32xf32, #tpu.memory_space<vmem>>, vector<1x16xf32>,
      %swap3A_149 = vector.shape_cast %swap3A_148 : vector<1x16xf32> to vector<16xf32>
      %swap3A_150 = vector.shape_cast %get3A_144 : vector<16xf32> to vector<1x16xf32>
      tpu.vector_store %arg12[%swap3A_146, %swap3A_147], %swap3A_150 {strides = array<i32>} : memref<40x32xf32, #tpu.memory_space<vmem>>, vector<1x16xf32>,
      %get3A_151 = arith.constant 6 : i32
      %get3A_152 = arith.index_cast %get3A_151 : i32 to index
      %get3A_153 = arith.constant 0 : index
      %get3A_154 = tpu.vector_load %arg11[%get3A_152, %get3A_153] {strides = array<i32>} : memref<40x512xf32, #tpu.memory_space<vmem>>, vector<1x16xf32>,
      %get3A_155 = vector.shape_cast %get3A_154 : vector<1x16xf32> to vector<16xf32>
      %swap3A_156 = arith.constant 6 : i32
      %swap3A_157 = arith.index_cast %swap3A_156 : i32 to index
      %swap3A_158 = arith.constant 0 : index
      %swap3A_159 = tpu.vector_load %arg12[%swap3A_157, %swap3A_158] {strides = array<i32>} : memref<40x32xf32, #tpu.memory_space<vmem>>, vector<1x16xf32>,
      %swap3A_160 = vector.shape_cast %swap3A_159 : vector<1x16xf32> to vector<16xf32>
      %swap3A_161 = vector.shape_cast %get3A_155 : vector<16xf32> to vector<1x16xf32>
      tpu.vector_store %arg12[%swap3A_157, %swap3A_158], %swap3A_161 {strides = array<i32>} : memref<40x32xf32, #tpu.memory_space<vmem>>, vector<1x16xf32>,
      %get3A_162 = arith.constant 6 : i32
      %get3A_163 = arith.index_cast %get3A_162 : i32 to index
      %get3A_164 = arith.constant 16 : index
      %get3A_165 = tpu.vector_load %arg11[%get3A_163, %get3A_164] {strides = array<i32>} : memref<40x512xf32, #tpu.memory_space<vmem>>, vector<1x16xf32>,
      %get3A_166 = vector.shape_cast %get3A_165 : vector<1x16xf32> to vector<16xf32>
      %swap3A_167 = arith.constant 6 : i32
      %swap3A_168 = arith.index_cast %swap3A_167 : i32 to index
      %swap3A_169 = arith.constant 16 : index
      %swap3A_170 = tpu.vector_load %arg12[%swap3A_168, %swap3A_169] {strides = array<i32>} : memref<40x32xf32, #tpu.memory_space<vmem>>, vector<1x16xf32>,
      %swap3A_171 = vector.shape_cast %swap3A_170 : vector<1x16xf32> to vector<16xf32>
      %swap3A_172 = vector.shape_cast %get3A_166 : vector<16xf32> to vector<1x16xf32>
      tpu.vector_store %arg12[%swap3A_168, %swap3A_169], %swap3A_172 {strides = array<i32>} : memref<40x32xf32, #tpu.memory_space<vmem>>, vector<1x16xf32>,
      %get3A_173 = arith.constant 7 : i32
      %get3A_174 = arith.index_cast %get3A_173 : i32 to index
      %get3A_175 = arith.constant 0 : index
      %get3A_176 = tpu.vector_load %arg11[%get3A_174, %get3A_175] {strides = array<i32>} : memref<40x512xf32, #tpu.memory_space<vmem>>, vector<1x16xf32>,
      %get3A_177 = vector.shape_cast %get3A_176 : vector<1x16xf32> to vector<16xf32>
      %swap3A_178 = arith.constant 7 : i32
      %swap3A_179 = arith.index_cast %swap3A_178 : i32 to index
      %swap3A_180 = arith.constant 0 : index
      %swap3A_181 = tpu.vector_load %arg12[%swap3A_179, %swap3A_180] {strides = array<i32>} : memref<40x32xf32, #tpu.memory_space<vmem>>, vector<1x16xf32>,
      %swap3A_182 = vector.shape_cast %swap3A_181 : vector<1x16xf32> to vector<16xf32>
      %swap3A_183 = vector.shape_cast %get3A_177 : vector<16xf32> to vector<1x16xf32>
      tpu.vector_store %arg12[%swap3A_179, %swap3A_180], %swap3A_183 {strides = array<i32>} : memref<40x32xf32, #tpu.memory_space<vmem>>, vector<1x16xf32>,
      %get3A_184 = arith.constant 7 : i32
      %get3A_185 = arith.index_cast %get3A_184 : i32 to index
      %get3A_186 = arith.constant 16 : index
      %get3A_187 = tpu.vector_load %arg11[%get3A_185, %get3A_186] {strides = array<i32>} : memref<40x512xf32, #tpu.memory_space<vmem>>, vector<1x16xf32>,
      %get3A_188 = vector.shape_cast %get3A_187 : vector<1x16xf32> to vector<16xf32>
      %swap3A_189 = arith.constant 7 : i32
      %swap3A_190 = arith.index_cast %swap3A_189 : i32 to index
      %swap3A_191 = arith.constant 16 : index
      %swap3A_192 = tpu.vector_load %arg12[%swap3A_190, %swap3A_191] {strides = array<i32>} : memref<40x32xf32, #tpu.memory_space<vmem>>, vector<1x16xf32>,
      %swap3A_193 = vector.shape_cast %swap3A_192 : vector<1x16xf32> to vector<16xf32>
      %swap3A_194 = vector.shape_cast %get3A_188 : vector<16xf32> to vector<1x16xf32>
      tpu.vector_store %arg12[%swap3A_190, %swap3A_191], %swap3A_194 {strides = array<i32>} : memref<40x32xf32, #tpu.memory_space<vmem>>, vector<1x16xf32>,
      %get3A_195 = arith.constant 8 : i32
      %get3A_196 = arith.index_cast %get3A_195 : i32 to index
      %get3A_197 = arith.constant 0 : index
      %get3A_198 = tpu.vector_load %arg11[%get3A_196, %get3A_197] {strides = array<i32>} : memref<40x512xf32, #tpu.memory_space<vmem>>, vector<1x16xf32>,
      %get3A_199 = vector.shape_cast %get3A_198 : vector<1x16xf32> to vector<16xf32>
      %swap3A_200 = arith.constant 8 : i32
      %swap3A_201 = arith.index_cast %swap3A_200 : i32 to index
      %swap3A_202 = arith.constant 0 : index
      %swap3A_203 = tpu.vector_load %arg12[%swap3A_201, %swap3A_202] {strides = array<i32>} : memref<40x32xf32, #tpu.memory_space<vmem>>, vector<1x16xf32>,
      %swap3A_204 = vector.shape_cast %swap3A_203 : vector<1x16xf32> to vector<16xf32>
      %swap3A_205 = vector.shape_cast %get3A_199 : vector<16xf32> to vector<1x16xf32>
      tpu.vector_store %arg12[%swap3A_201, %swap3A_202], %swap3A_205 {strides = array<i32>} : memref<40x32xf32, #tpu.memory_space<vmem>>, vector<1x16xf32>,
      %get3A_206 = arith.constant 8 : i32
      %get3A_207 = arith.index_cast %get3A_206 : i32 to index
      %get3A_208 = arith.constant 16 : index
      %get3A_209 = tpu.vector_load %arg11[%get3A_207, %get3A_208] {strides = array<i32>} : memref<40x512xf32, #tpu.memory_space<vmem>>, vector<1x16xf32>,
      %get3A_210 = vector.shape_cast %get3A_209 : vector<1x16xf32> to vector<16xf32>
      %swap3A_211 = arith.constant 8 : i32
      %swap3A_212 = arith.index_cast %swap3A_211 : i32 to index
      %swap3A_213 = arith.constant 16 : index
      %swap3A_214 = tpu.vector_load %arg12[%swap3A_212, %swap3A_213] {strides = array<i32>} : memref<40x32xf32, #tpu.memory_space<vmem>>, vector<1x16xf32>,
      %swap3A_215 = vector.shape_cast %swap3A_214 : vector<1x16xf32> to vector<16xf32>
      %swap3A_216 = vector.shape_cast %get3A_210 : vector<16xf32> to vector<1x16xf32>
      tpu.vector_store %arg12[%swap3A_212, %swap3A_213], %swap3A_216 {strides = array<i32>} : memref<40x32xf32, #tpu.memory_space<vmem>>, vector<1x16xf32>,
      %get3A_217 = arith.constant 9 : i32
      %get3A_218 = arith.index_cast %get3A_217 : i32 to index
      %get3A_219 = arith.constant 0 : index
      %get3A_220 = tpu.vector_load %arg11[%get3A_218, %get3A_219] {strides = array<i32>} : memref<40x512xf32, #tpu.memory_space<vmem>>, vector<1x16xf32>,
      %get3A_221 = vector.shape_cast %get3A_220 : vector<1x16xf32> to vector<16xf32>
      %swap3A_222 = arith.constant 9 : i32
      %swap3A_223 = arith.index_cast %swap3A_222 : i32 to index
      %swap3A_224 = arith.constant 0 : index
      %swap3A_225 = tpu.vector_load %arg12[%swap3A_223, %swap3A_224] {strides = array<i32>} : memref<40x32xf32, #tpu.memory_space<vmem>>, vector<1x16xf32>,
      %swap3A_226 = vector.shape_cast %swap3A_225 : vector<1x16xf32> to vector<16xf32>
      %swap3A_227 = vector.shape_cast %get3A_221 : vector<16xf32> to vector<1x16xf32>
      tpu.vector_store %arg12[%swap3A_223, %swap3A_224], %swap3A_227 {strides = array<i32>} : memref<40x32xf32, #tpu.memory_space<vmem>>, vector<1x16xf32>,
      %get3A_228 = arith.constant 9 : i32
      %get3A_229 = arith.index_cast %get3A_228 : i32 to index
      %get3A_230 = arith.constant 16 : index
      %get3A_231 = tpu.vector_load %arg11[%get3A_229, %get3A_230] {strides = array<i32>} : memref<40x512xf32, #tpu.memory_space<vmem>>, vector<1x16xf32>,
      %get3A_232 = vector.shape_cast %get3A_231 : vector<1x16xf32> to vector<16xf32>
      %swap3A_233 = arith.constant 9 : i32
      %swap3A_234 = arith.index_cast %swap3A_233 : i32 to index
      %swap3A_235 = arith.constant 16 : index
      %swap3A_236 = tpu.vector_load %arg12[%swap3A_234, %swap3A_235] {strides = array<i32>} : memref<40x32xf32, #tpu.memory_space<vmem>>, vector<1x16xf32>,
      %swap3A_237 = vector.shape_cast %swap3A_236 : vector<1x16xf32> to vector<16xf32>
      %swap3A_238 = vector.shape_cast %get3A_232 : vector<16xf32> to vector<1x16xf32>
      tpu.vector_store %arg12[%swap3A_234, %swap3A_235], %swap3A_238 {strides = array<i32>} : memref<40x32xf32, #tpu.memory_space<vmem>>, vector<1x16xf32>,
      %get3A_239 = arith.constant 10 : i32
      %get3A_240 = arith.index_cast %get3A_239 : i32 to index
      %get3A_241 = arith.constant 0 : index
      %get3A_242 = tpu.vector_load %arg11[%get3A_240, %get3A_241] {strides = array<i32>} : memref<40x512xf32, #tpu.memory_space<vmem>>, vector<1x16xf32>,
      %get3A_243 = vector.shape_cast %get3A_242 : vector<1x16xf32> to vector<16xf32>
      %swap3A_244 = arith.constant 10 : i32
      %swap3A_245 = arith.index_cast %swap3A_244 : i32 to index
      %swap3A_246 = arith.constant 0 : index
      %swap3A_247 = tpu.vector_load %arg12[%swap3A_245, %swap3A_246] {strides = array<i32>} : memref<40x32xf32, #tpu.memory_space<vmem>>, vector<1x16xf32>,
      %swap3A_248 = vector.shape_cast %swap3A_247 : vector<1x16xf32> to vector<16xf32>
      %swap3A_249 = vector.shape_cast %get3A_243 : vector<16xf32> to vector<1x16xf32>
      tpu.vector_store %arg12[%swap3A_245, %swap3A_246], %swap3A_249 {strides = array<i32>} : memref<40x32xf32, #tpu.memory_space<vmem>>, vector<1x16xf32>,
      %get3A_250 = arith.constant 10 : i32
      %get3A_251 = arith.index_cast %get3A_250 : i32 to index
      %get3A_252 = arith.constant 16 : index
      %get3A_253 = tpu.vector_load %arg11[%get3A_251, %get3A_252] {strides = array<i32>} : memref<40x512xf32, #tpu.memory_space<vmem>>, vector<1x16xf32>,
      %get3A_254 = vector.shape_cast %get3A_253 : vector<1x16xf32> to vector<16xf32>
      %swap3A_255 = arith.constant 10 : i32
      %swap3A_256 = arith.index_cast %swap3A_255 : i32 to index
      %swap3A_257 = arith.constant 16 : index
      %swap3A_258 = tpu.vector_load %arg12[%swap3A_256, %swap3A_257] {strides = array<i32>} : memref<40x32xf32, #tpu.memory_space<vmem>>, vector<1x16xf32>,
      %swap3A_259 = vector.shape_cast %swap3A_258 : vector<1x16xf32> to vector<16xf32>
      %swap3A_260 = vector.shape_cast %get3A_254 : vector<16xf32> to vector<1x16xf32>
      tpu.vector_store %arg12[%swap3A_256, %swap3A_257], %swap3A_260 {strides = array<i32>} : memref<40x32xf32, #tpu.memory_space<vmem>>, vector<1x16xf32>,
      %get3A_261 = arith.constant 11 : i32
      %get3A_262 = arith.index_cast %get3A_261 : i32 to index
      %get3A_263 = arith.constant 0 : index
      %get3A_264 = tpu.vector_load %arg11[%get3A_262, %get3A_263] {strides = array<i32>} : memref<40x512xf32, #tpu.memory_space<vmem>>, vector<1x16xf32>,
      %get3A_265 = vector.shape_cast %get3A_264 : vector<1x16xf32> to vector<16xf32>
      %swap3A_266 = arith.constant 11 : i32
      %swap3A_267 = arith.index_cast %swap3A_266 : i32 to index
      %swap3A_268 = arith.constant 0 : index
      %swap3A_269 = tpu.vector_load %arg12[%swap3A_267, %swap3A_268] {strides = array<i32>} : memref<40x32xf32, #tpu.memory_space<vmem>>, vector<1x16xf32>,
      %swap3A_270 = vector.shape_cast %swap3A_269 : vector<1x16xf32> to vector<16xf32>
      %swap3A_271 = vector.shape_cast %get3A_265 : vector<16xf32> to vector<1x16xf32>
      tpu.vector_store %arg12[%swap3A_267, %swap3A_268], %swap3A_271 {strides = array<i32>} : memref<40x32xf32, #tpu.memory_space<vmem>>, vector<1x16xf32>,
      %get3A_272 = arith.constant 11 : i32
      %get3A_273 = arith.index_cast %get3A_272 : i32 to index
      %get3A_274 = arith.constant 16 : index
      %get3A_275 = tpu.vector_load %arg11[%get3A_273, %get3A_274] {strides = array<i32>} : memref<40x512xf32, #tpu.memory_space<vmem>>, vector<1x16xf32>,
      %get3A_276 = vector.shape_cast %get3A_275 : vector<1x16xf32> to vector<16xf32>
      %swap3A_277 = arith.constant 11 : i32
      %swap3A_278 = arith.index_cast %swap3A_277 : i32 to index
      %swap3A_279 = arith.constant 16 : index
      %swap3A_280 = tpu.vector_load %arg12[%swap3A_278, %swap3A_279] {strides = array<i32>} : memref<40x32xf32, #tpu.memory_space<vmem>>, vector<1x16xf32>,
      %swap3A_281 = vector.shape_cast %swap3A_280 : vector<1x16xf32> to vector<16xf32>
      %swap3A_282 = vector.shape_cast %get3A_276 : vector<16xf32> to vector<1x16xf32>
      tpu.vector_store %arg12[%swap3A_278, %swap3A_279], %swap3A_282 {strides = array<i32>} : memref<40x32xf32, #tpu.memory_space<vmem>>, vector<1x16xf32>,
      %get3A_283 = arith.constant 12 : i32
      %get3A_284 = arith.index_cast %get3A_283 : i32 to index
      %get3A_285 = arith.constant 0 : index
      %get3A_286 = tpu.vector_load %arg11[%get3A_284, %get3A_285] {strides = array<i32>} : memref<40x512xf32, #tpu.memory_space<vmem>>, vector<1x16xf32>,
      %get3A_287 = vector.shape_cast %get3A_286 : vector<1x16xf32> to vector<16xf32>
      %swap3A_288 = arith.constant 12 : i32
      %swap3A_289 = arith.index_cast %swap3A_288 : i32 to index
      %swap3A_290 = arith.constant 0 : index
      %swap3A_291 = tpu.vector_load %arg12[%swap3A_289, %swap3A_290] {strides = array<i32>} : memref<40x32xf32, #tpu.memory_space<vmem>>, vector<1x16xf32>,
      %swap3A_292 = vector.shape_cast %swap3A_291 : vector<1x16xf32> to vector<16xf32>
      %swap3A_293 = vector.shape_cast %get3A_287 : vector<16xf32> to vector<1x16xf32>
      tpu.vector_store %arg12[%swap3A_289, %swap3A_290], %swap3A_293 {strides = array<i32>} : memref<40x32xf32, #tpu.memory_space<vmem>>, vector<1x16xf32>,
      %get3A_294 = arith.constant 12 : i32
      %get3A_295 = arith.index_cast %get3A_294 : i32 to index
      %get3A_296 = arith.constant 16 : index
      %get3A_297 = tpu.vector_load %arg11[%get3A_295, %get3A_296] {strides = array<i32>} : memref<40x512xf32, #tpu.memory_space<vmem>>, vector<1x16xf32>,
      %get3A_298 = vector.shape_cast %get3A_297 : vector<1x16xf32> to vector<16xf32>
      %swap3A_299 = arith.constant 12 : i32
      %swap3A_300 = arith.index_cast %swap3A_299 : i32 to index
      %swap3A_301 = arith.constant 16 : index
      %swap3A_302 = tpu.vector_load %arg12[%swap3A_300, %swap3A_301] {strides = array<i32>} : memref<40x32xf32, #tpu.memory_space<vmem>>, vector<1x16xf32>,
      %swap3A_303 = vector.shape_cast %swap3A_302 : vector<1x16xf32> to vector<16xf32>
      %swap3A_304 = vector.shape_cast %get3A_298 : vector<16xf32> to vector<1x16xf32>
      tpu.vector_store %arg12[%swap3A_300, %swap3A_301], %swap3A_304 {strides = array<i32>} : memref<40x32xf32, #tpu.memory_space<vmem>>, vector<1x16xf32>,
      %get3A_305 = arith.constant 13 : i32
      %get3A_306 = arith.index_cast %get3A_305 : i32 to index
      %get3A_307 = arith.constant 0 : index
      %get3A_308 = tpu.vector_load %arg11[%get3A_306, %get3A_307] {strides = array<i32>} : memref<40x512xf32, #tpu.memory_space<vmem>>, vector<1x16xf32>,
      %get3A_309 = vector.shape_cast %get3A_308 : vector<1x16xf32> to vector<16xf32>
      %swap3A_310 = arith.constant 13 : i32
      %swap3A_311 = arith.index_cast %swap3A_310 : i32 to index
      %swap3A_312 = arith.constant 0 : index
      %swap3A_313 = tpu.vector_load %arg12[%swap3A_311, %swap3A_312] {strides = array<i32>} : memref<40x32xf32, #tpu.memory_space<vmem>>, vector<1x16xf32>,
      %swap3A_314 = vector.shape_cast %swap3A_313 : vector<1x16xf32> to vector<16xf32>
      %swap3A_315 = vector.shape_cast %get3A_309 : vector<16xf32> to vector<1x16xf32>
      tpu.vector_store %arg12[%swap3A_311, %swap3A_312], %swap3A_315 {strides = array<i32>} : memref<40x32xf32, #tpu.memory_space<vmem>>, vector<1x16xf32>,
      %get3A_316 = arith.constant 13 : i32
      %get3A_317 = arith.index_cast %get3A_316 : i32 to index
      %get3A_318 = arith.constant 16 : index
      %get3A_319 = tpu.vector_load %arg11[%get3A_317, %get3A_318] {strides = array<i32>} : memref<40x512xf32, #tpu.memory_space<vmem>>, vector<1x16xf32>,
      %get3A_320 = vector.shape_cast %get3A_319 : vector<1x16xf32> to vector<16xf32>
      %swap3A_321 = arith.constant 13 : i32
      %swap3A_322 = arith.index_cast %swap3A_321 : i32 to index
      %swap3A_323 = arith.constant 16 : index
      %swap3A_324 = tpu.vector_load %arg12[%swap3A_322, %swap3A_323] {strides = array<i32>} : memref<40x32xf32, #tpu.memory_space<vmem>>, vector<1x16xf32>,
      %swap3A_325 = vector.shape_cast %swap3A_324 : vector<1x16xf32> to vector<16xf32>
      %swap3A_326 = vector.shape_cast %get3A_320 : vector<16xf32> to vector<1x16xf32>
      tpu.vector_store %arg12[%swap3A_322, %swap3A_323], %swap3A_326 {strides = array<i32>} : memref<40x32xf32, #tpu.memory_space<vmem>>, vector<1x16xf32>,
      %get3A_327 = arith.constant 14 : i32
      %get3A_328 = arith.index_cast %get3A_327 : i32 to index
      %get3A_329 = arith.constant 0 : index
      %get3A_330 = tpu.vector_load %arg11[%get3A_328, %get3A_329] {strides = array<i32>} : memref<40x512xf32, #tpu.memory_space<vmem>>, vector<1x16xf32>,
      %get3A_331 = vector.shape_cast %get3A_330 : vector<1x16xf32> to vector<16xf32>
      %swap3A_332 = arith.constant 14 : i32
      %swap3A_333 = arith.index_cast %swap3A_332 : i32 to index
      %swap3A_334 = arith.constant 0 : index
      %swap3A_335 = tpu.vector_load %arg12[%swap3A_333, %swap3A_334] {strides = array<i32>} : memref<40x32xf32, #tpu.memory_space<vmem>>, vector<1x16xf32>,
      %swap3A_336 = vector.shape_cast %swap3A_335 : vector<1x16xf32> to vector<16xf32>
      %swap3A_337 = vector.shape_cast %get3A_331 : vector<16xf32> to vector<1x16xf32>
      tpu.vector_store %arg12[%swap3A_333, %swap3A_334], %swap3A_337 {strides = array<i32>} : memref<40x32xf32, #tpu.memory_space<vmem>>, vector<1x16xf32>,
      %get3A_338 = arith.constant 14 : i32
      %get3A_339 = arith.index_cast %get3A_338 : i32 to index
      %get3A_340 = arith.constant 16 : index
      %get3A_341 = tpu.vector_load %arg11[%get3A_339, %get3A_340] {strides = array<i32>} : memref<40x512xf32, #tpu.memory_space<vmem>>, vector<1x16xf32>,
      %get3A_342 = vector.shape_cast %get3A_341 : vector<1x16xf32> to vector<16xf32>
      %swap3A_343 = arith.constant 14 : i32
      %swap3A_344 = arith.index_cast %swap3A_343 : i32 to index
      %swap3A_345 = arith.constant 16 : index
      %swap3A_346 = tpu.vector_load %arg12[%swap3A_344, %swap3A_345] {strides = array<i32>} : memref<40x32xf32, #tpu.memory_space<vmem>>, vector<1x16xf32>,
      %swap3A_347 = vector.shape_cast %swap3A_346 : vector<1x16xf32> to vector<16xf32>
      %swap3A_348 = vector.shape_cast %get3A_342 : vector<16xf32> to vector<1x16xf32>
      tpu.vector_store %arg12[%swap3A_344, %swap3A_345], %swap3A_348 {strides = array<i32>} : memref<40x32xf32, #tpu.memory_space<vmem>>, vector<1x16xf32>,
      %get3A_349 = arith.constant 15 : i32
      %get3A_350 = arith.index_cast %get3A_349 : i32 to index
      %get3A_351 = arith.constant 0 : index
      %get3A_352 = tpu.vector_load %arg11[%get3A_350, %get3A_351] {strides = array<i32>} : memref<40x512xf32, #tpu.memory_space<vmem>>, vector<1x16xf32>,
      %get3A_353 = vector.shape_cast %get3A_352 : vector<1x16xf32> to vector<16xf32>
      %swap3A_354 = arith.constant 15 : i32
      %swap3A_355 = arith.index_cast %swap3A_354 : i32 to index
      %swap3A_356 = arith.constant 0 : index
      %swap3A_357 = tpu.vector_load %arg12[%swap3A_355, %swap3A_356] {strides = array<i32>} : memref<40x32xf32, #tpu.memory_space<vmem>>, vector<1x16xf32>,
      %swap3A_358 = vector.shape_cast %swap3A_357 : vector<1x16xf32> to vector<16xf32>
      %swap3A_359 = vector.shape_cast %get3A_353 : vector<16xf32> to vector<1x16xf32>
      tpu.vector_store %arg12[%swap3A_355, %swap3A_356], %swap3A_359 {strides = array<i32>} : memref<40x32xf32, #tpu.memory_space<vmem>>, vector<1x16xf32>,
      %get3A_360 = arith.constant 15 : i32
      %get3A_361 = arith.index_cast %get3A_360 : i32 to index
      %get3A_362 = arith.constant 16 : index
      %get3A_363 = tpu.vector_load %arg11[%get3A_361, %get3A_362] {strides = array<i32>} : memref<40x512xf32, #tpu.memory_space<vmem>>, vector<1x16xf32>,
      %get3A_364 = vector.shape_cast %get3A_363 : vector<1x16xf32> to vector<16xf32>
      %swap3A_365 = arith.constant 15 : i32
      %swap3A_366 = arith.index_cast %swap3A_365 : i32 to index
      %swap3A_367 = arith.constant 16 : index
      %swap3A_368 = tpu.vector_load %arg12[%swap3A_366, %swap3A_367] {strides = array<i32>} : memref<40x32xf32, #tpu.memory_space<vmem>>, vector<1x16xf32>,
      %swap3A_369 = vector.shape_cast %swap3A_368 : vector<1x16xf32> to vector<16xf32>
      %swap3A_370 = vector.shape_cast %get3A_364 : vector<16xf32> to vector<1x16xf32>
      tpu.vector_store %arg12[%swap3A_366, %swap3A_367], %swap3A_370 {strides = array<i32>} : memref<40x32xf32, #tpu.memory_space<vmem>>, vector<1x16xf32>,
      %get3A_371 = arith.constant 16 : i32
      %get3A_372 = arith.index_cast %get3A_371 : i32 to index
      %get3A_373 = arith.constant 0 : index
      %get3A_374 = tpu.vector_load %arg11[%get3A_372, %get3A_373] {strides = array<i32>} : memref<40x512xf32, #tpu.memory_space<vmem>>, vector<1x16xf32>,
      %get3A_375 = vector.shape_cast %get3A_374 : vector<1x16xf32> to vector<16xf32>
      %swap3A_376 = arith.constant 16 : i32
      %swap3A_377 = arith.index_cast %swap3A_376 : i32 to index
      %swap3A_378 = arith.constant 0 : index
      %swap3A_379 = tpu.vector_load %arg12[%swap3A_377, %swap3A_378] {strides = array<i32>} : memref<40x32xf32, #tpu.memory_space<vmem>>, vector<1x16xf32>,
      %swap3A_380 = vector.shape_cast %swap3A_379 : vector<1x16xf32> to vector<16xf32>
      %swap3A_381 = vector.shape_cast %get3A_375 : vector<16xf32> to vector<1x16xf32>
      tpu.vector_store %arg12[%swap3A_377, %swap3A_378], %swap3A_381 {strides = array<i32>} : memref<40x32xf32, #tpu.memory_space<vmem>>, vector<1x16xf32>,
      %get3A_382 = arith.constant 16 : i32
      %get3A_383 = arith.index_cast %get3A_382 : i32 to index
      %get3A_384 = arith.constant 16 : index
      %get3A_385 = tpu.vector_load %arg11[%get3A_383, %get3A_384] {strides = array<i32>} : memref<40x512xf32, #tpu.memory_space<vmem>>, vector<1x16xf32>,
      %get3A_386 = vector.shape_cast %get3A_385 : vector<1x16xf32> to vector<16xf32>
      %swap3A_387 = arith.constant 16 : i32
      %swap3A_388 = arith.index_cast %swap3A_387 : i32 to index
      %swap3A_389 = arith.constant 16 : index
      %swap3A_390 = tpu.vector_load %arg12[%swap3A_388, %swap3A_389] {strides = array<i32>} : memref<40x32xf32, #tpu.memory_space<vmem>>, vector<1x16xf32>,
      %swap3A_391 = vector.shape_cast %swap3A_390 : vector<1x16xf32> to vector<16xf32>
      %swap3A_392 = vector.shape_cast %get3A_386 : vector<16xf32> to vector<1x16xf32>
      tpu.vector_store %arg12[%swap3A_388, %swap3A_389], %swap3A_392 {strides = array<i32>} : memref<40x32xf32, #tpu.memory_space<vmem>>, vector<1x16xf32>,
      %get3A_393 = arith.constant 17 : i32
      %get3A_394 = arith.index_cast %get3A_393 : i32 to index
      %get3A_395 = arith.constant 0 : index
      %get3A_396 = tpu.vector_load %arg11[%get3A_394, %get3A_395] {strides = array<i32>} : memref<40x512xf32, #tpu.memory_space<vmem>>, vector<1x16xf32>,
      %get3A_397 = vector.shape_cast %get3A_396 : vector<1x16xf32> to vector<16xf32>
      %swap3A_398 = arith.constant 17 : i32
      %swap3A_399 = arith.index_cast %swap3A_398 : i32 to index
      %swap3A_400 = arith.constant 0 : index
      %swap3A_401 = tpu.vector_load %arg12[%swap3A_399, %swap3A_400] {strides = array<i32>} : memref<40x32xf32, #tpu.memory_space<vmem>>, vector<1x16xf32>,
      %swap3A_402 = vector.shape_cast %swap3A_401 : vector<1x16xf32> to vector<16xf32>
      %swap3A_403 = vector.shape_cast %get3A_397 : vector<16xf32> to vector<1x16xf32>
      tpu.vector_store %arg12[%swap3A_399, %swap3A_400], %swap3A_403 {strides = array<i32>} : memref<40x32xf32, #tpu.memory_space<vmem>>, vector<1x16xf32>,
      %get3A_404 = arith.constant 17 : i32
      %get3A_405 = arith.index_cast %get3A_404 : i32 to index
      %get3A_406 = arith.constant 16 : index
      %get3A_407 = tpu.vector_load %arg11[%get3A_405, %get3A_406] {strides = array<i32>} : memref<40x512xf32, #tpu.memory_space<vmem>>, vector<1x16xf32>,
      %get3A_408 = vector.shape_cast %get3A_407 : vector<1x16xf32> to vector<16xf32>
      %swap3A_409 = arith.constant 17 : i32
      %swap3A_410 = arith.index_cast %swap3A_409 : i32 to index
      %swap3A_411 = arith.constant 16 : index
      %swap3A_412 = tpu.vector_load %arg12[%swap3A_410, %swap3A_411] {strides = array<i32>} : memref<40x32xf32, #tpu.memory_space<vmem>>, vector<1x16xf32>,
      %swap3A_413 = vector.shape_cast %swap3A_412 : vector<1x16xf32> to vector<16xf32>
      %swap3A_414 = vector.shape_cast %get3A_408 : vector<16xf32> to vector<1x16xf32>
      tpu.vector_store %arg12[%swap3A_410, %swap3A_411], %swap3A_414 {strides = array<i32>} : memref<40x32xf32, #tpu.memory_space<vmem>>, vector<1x16xf32>,
      %get3A_415 = arith.constant 18 : i32
      %get3A_416 = arith.index_cast %get3A_415 : i32 to index
      %get3A_417 = arith.constant 0 : index
      %get3A_418 = tpu.vector_load %arg11[%get3A_416, %get3A_417] {strides = array<i32>} : memref<40x512xf32, #tpu.memory_space<vmem>>, vector<1x16xf32>,
      %get3A_419 = vector.shape_cast %get3A_418 : vector<1x16xf32> to vector<16xf32>
      %swap3A_420 = arith.constant 18 : i32
      %swap3A_421 = arith.index_cast %swap3A_420 : i32 to index
      %swap3A_422 = arith.constant 0 : index
      %swap3A_423 = tpu.vector_load %arg12[%swap3A_421, %swap3A_422] {strides = array<i32>} : memref<40x32xf32, #tpu.memory_space<vmem>>, vector<1x16xf32>,
      %swap3A_424 = vector.shape_cast %swap3A_423 : vector<1x16xf32> to vector<16xf32>
      %swap3A_425 = vector.shape_cast %get3A_419 : vector<16xf32> to vector<1x16xf32>
      tpu.vector_store %arg12[%swap3A_421, %swap3A_422], %swap3A_425 {strides = array<i32>} : memref<40x32xf32, #tpu.memory_space<vmem>>, vector<1x16xf32>,
      %get3A_426 = arith.constant 18 : i32
      %get3A_427 = arith.index_cast %get3A_426 : i32 to index
      %get3A_428 = arith.constant 16 : index
      %get3A_429 = tpu.vector_load %arg11[%get3A_427, %get3A_428] {strides = array<i32>} : memref<40x512xf32, #tpu.memory_space<vmem>>, vector<1x16xf32>,
      %get3A_430 = vector.shape_cast %get3A_429 : vector<1x16xf32> to vector<16xf32>
      %swap3A_431 = arith.constant 18 : i32
      %swap3A_432 = arith.index_cast %swap3A_431 : i32 to index
      %swap3A_433 = arith.constant 16 : index
      %swap3A_434 = tpu.vector_load %arg12[%swap3A_432, %swap3A_433] {strides = array<i32>} : memref<40x32xf32, #tpu.memory_space<vmem>>, vector<1x16xf32>,
      %swap3A_435 = vector.shape_cast %swap3A_434 : vector<1x16xf32> to vector<16xf32>
      %swap3A_436 = vector.shape_cast %get3A_430 : vector<16xf32> to vector<1x16xf32>
      tpu.vector_store %arg12[%swap3A_432, %swap3A_433], %swap3A_436 {strides = array<i32>} : memref<40x32xf32, #tpu.memory_space<vmem>>, vector<1x16xf32>,
      %get3A_437 = arith.constant 19 : i32
      %get3A_438 = arith.index_cast %get3A_437 : i32 to index
      %get3A_439 = arith.constant 0 : index
      %get3A_440 = tpu.vector_load %arg11[%get3A_438, %get3A_439] {strides = array<i32>} : memref<40x512xf32, #tpu.memory_space<vmem>>, vector<1x16xf32>,
      %get3A_441 = vector.shape_cast %get3A_440 : vector<1x16xf32> to vector<16xf32>
      %swap3A_442 = arith.constant 19 : i32
      %swap3A_443 = arith.index_cast %swap3A_442 : i32 to index
      %swap3A_444 = arith.constant 0 : index
      %swap3A_445 = tpu.vector_load %arg12[%swap3A_443, %swap3A_444] {strides = array<i32>} : memref<40x32xf32, #tpu.memory_space<vmem>>, vector<1x16xf32>,
      %swap3A_446 = vector.shape_cast %swap3A_445 : vector<1x16xf32> to vector<16xf32>
      %swap3A_447 = vector.shape_cast %get3A_441 : vector<16xf32> to vector<1x16xf32>
      tpu.vector_store %arg12[%swap3A_443, %swap3A_444], %swap3A_447 {strides = array<i32>} : memref<40x32xf32, #tpu.memory_space<vmem>>, vector<1x16xf32>,
      %get3A_448 = arith.constant 19 : i32
      %get3A_449 = arith.index_cast %get3A_448 : i32 to index
      %get3A_450 = arith.constant 16 : index
      %get3A_451 = tpu.vector_load %arg11[%get3A_449, %get3A_450] {strides = array<i32>} : memref<40x512xf32, #tpu.memory_space<vmem>>, vector<1x16xf32>,
      %get3A_452 = vector.shape_cast %get3A_451 : vector<1x16xf32> to vector<16xf32>
      %swap3A_453 = arith.constant 19 : i32
      %swap3A_454 = arith.index_cast %swap3A_453 : i32 to index
      %swap3A_455 = arith.constant 16 : index
      %swap3A_456 = tpu.vector_load %arg12[%swap3A_454, %swap3A_455] {strides = array<i32>} : memref<40x32xf32, #tpu.memory_space<vmem>>, vector<1x16xf32>,
      %swap3A_457 = vector.shape_cast %swap3A_456 : vector<1x16xf32> to vector<16xf32>
      %swap3A_458 = vector.shape_cast %get3A_452 : vector<16xf32> to vector<1x16xf32>
      tpu.vector_store %arg12[%swap3A_454, %swap3A_455], %swap3A_458 {strides = array<i32>} : memref<40x32xf32, #tpu.memory_space<vmem>>, vector<1x16xf32>,
      %get3A_459 = arith.constant 20 : i32
      %get3A_460 = arith.index_cast %get3A_459 : i32 to index
      %get3A_461 = arith.constant 0 : index
      %get3A_462 = tpu.vector_load %arg11[%get3A_460, %get3A_461] {strides = array<i32>} : memref<40x512xf32, #tpu.memory_space<vmem>>, vector<1x16xf32>,
      %get3A_463 = vector.shape_cast %get3A_462 : vector<1x16xf32> to vector<16xf32>
      %swap3A_464 = arith.constant 20 : i32
      %swap3A_465 = arith.index_cast %swap3A_464 : i32 to index
      %swap3A_466 = arith.constant 0 : index
      %swap3A_467 = tpu.vector_load %arg12[%swap3A_465, %swap3A_466] {strides = array<i32>} : memref<40x32xf32, #tpu.memory_space<vmem>>, vector<1x16xf32>,
      %swap3A_468 = vector.shape_cast %swap3A_467 : vector<1x16xf32> to vector<16xf32>
      %swap3A_469 = vector.shape_cast %get3A_463 : vector<16xf32> to vector<1x16xf32>
      tpu.vector_store %arg12[%swap3A_465, %swap3A_466], %swap3A_469 {strides = array<i32>} : memref<40x32xf32, #tpu.memory_space<vmem>>, vector<1x16xf32>,
      %get3A_470 = arith.constant 20 : i32
      %get3A_471 = arith.index_cast %get3A_470 : i32 to index
      %get3A_472 = arith.constant 16 : index
      %get3A_473 = tpu.vector_load %arg11[%get3A_471, %get3A_472] {strides = array<i32>} : memref<40x512xf32, #tpu.memory_space<vmem>>, vector<1x16xf32>,
      %get3A_474 = vector.shape_cast %get3A_473 : vector<1x16xf32> to vector<16xf32>
      %swap3A_475 = arith.constant 20 : i32
      %swap3A_476 = arith.index_cast %swap3A_475 : i32 to index
      %swap3A_477 = arith.constant 16 : index
      %swap3A_478 = tpu.vector_load %arg12[%swap3A_476, %swap3A_477] {strides = array<i32>} : memref<40x32xf32, #tpu.memory_space<vmem>>, vector<1x16xf32>,
      %swap3A_479 = vector.shape_cast %swap3A_478 : vector<1x16xf32> to vector<16xf32>
      %swap3A_480 = vector.shape_cast %get3A_474 : vector<16xf32> to vector<1x16xf32>
      tpu.vector_store %arg12[%swap3A_476, %swap3A_477], %swap3A_480 {strides = array<i32>} : memref<40x32xf32, #tpu.memory_space<vmem>>, vector<1x16xf32>,
      %get3A_481 = arith.constant 21 : i32
      %get3A_482 = arith.index_cast %get3A_481 : i32 to index
      %get3A_483 = arith.constant 0 : index
      %get3A_484 = tpu.vector_load %arg11[%get3A_482, %get3A_483] {strides = array<i32>} : memref<40x512xf32, #tpu.memory_space<vmem>>, vector<1x16xf32>,
      %get3A_485 = vector.shape_cast %get3A_484 : vector<1x16xf32> to vector<16xf32>
      %swap3A_486 = arith.constant 21 : i32
      %swap3A_487 = arith.index_cast %swap3A_486 : i32 to index
      %swap3A_488 = arith.constant 0 : index
      %swap3A_489 = tpu.vector_load %arg12[%swap3A_487, %swap3A_488] {strides = array<i32>} : memref<40x32xf32, #tpu.memory_space<vmem>>, vector<1x16xf32>,
      %swap3A_490 = vector.shape_cast %swap3A_489 : vector<1x16xf32> to vector<16xf32>
      %swap3A_491 = vector.shape_cast %get3A_485 : vector<16xf32> to vector<1x16xf32>
      tpu.vector_store %arg12[%swap3A_487, %swap3A_488], %swap3A_491 {strides = array<i32>} : memref<40x32xf32, #tpu.memory_space<vmem>>, vector<1x16xf32>,
      %get3A_492 = arith.constant 21 : i32
      %get3A_493 = arith.index_cast %get3A_492 : i32 to index
      %get3A_494 = arith.constant 16 : index
      %get3A_495 = tpu.vector_load %arg11[%get3A_493, %get3A_494] {strides = array<i32>} : memref<40x512xf32, #tpu.memory_space<vmem>>, vector<1x16xf32>,
      %get3A_496 = vector.shape_cast %get3A_495 : vector<1x16xf32> to vector<16xf32>
      %swap3A_497 = arith.constant 21 : i32
      %swap3A_498 = arith.index_cast %swap3A_497 : i32 to index
      %swap3A_499 = arith.constant 16 : index
      %swap3A_500 = tpu.vector_load %arg12[%swap3A_498, %swap3A_499] {strides = array<i32>} : memref<40x32xf32, #tpu.memory_space<vmem>>, vector<1x16xf32>,
      %swap3A_501 = vector.shape_cast %swap3A_500 : vector<1x16xf32> to vector<16xf32>
      %swap3A_502 = vector.shape_cast %get3A_496 : vector<16xf32> to vector<1x16xf32>
      tpu.vector_store %arg12[%swap3A_498, %swap3A_499], %swap3A_502 {strides = array<i32>} : memref<40x32xf32, #tpu.memory_space<vmem>>, vector<1x16xf32>,
      %get3A_503 = arith.constant 22 : i32
      %get3A_504 = arith.index_cast %get3A_503 : i32 to index
      %get3A_505 = arith.constant 0 : index
      %get3A_506 = tpu.vector_load %arg11[%get3A_504, %get3A_505] {strides = array<i32>} : memref<40x512xf32, #tpu.memory_space<vmem>>, vector<1x16xf32>,
      %get3A_507 = vector.shape_cast %get3A_506 : vector<1x16xf32> to vector<16xf32>
      %swap3A_508 = arith.constant 22 : i32
      %swap3A_509 = arith.index_cast %swap3A_508 : i32 to index
      %swap3A_510 = arith.constant 0 : index
      %swap3A_511 = tpu.vector_load %arg12[%swap3A_509, %swap3A_510] {strides = array<i32>} : memref<40x32xf32, #tpu.memory_space<vmem>>, vector<1x16xf32>,
      %swap3A_512 = vector.shape_cast %swap3A_511 : vector<1x16xf32> to vector<16xf32>
      %swap3A_513 = vector.shape_cast %get3A_507 : vector<16xf32> to vector<1x16xf32>
      tpu.vector_store %arg12[%swap3A_509, %swap3A_510], %swap3A_513 {strides = array<i32>} : memref<40x32xf32, #tpu.memory_space<vmem>>, vector<1x16xf32>,
      %get3A_514 = arith.constant 22 : i32
      %get3A_515 = arith.index_cast %get3A_514 : i32 to index
      %get3A_516 = arith.constant 16 : index
      %get3A_517 = tpu.vector_load %arg11[%get3A_515, %get3A_516] {strides = array<i32>} : memref<40x512xf32, #tpu.memory_space<vmem>>, vector<1x16xf32>,
      %get3A_518 = vector.shape_cast %get3A_517 : vector<1x16xf32> to vector<16xf32>
      %swap3A_519 = arith.constant 22 : i32
      %swap3A_520 = arith.index_cast %swap3A_519 : i32 to index
      %swap3A_521 = arith.constant 16 : index
      %swap3A_522 = tpu.vector_load %arg12[%swap3A_520, %swap3A_521] {strides = array<i32>} : memref<40x32xf32, #tpu.memory_space<vmem>>, vector<1x16xf32>,
      %swap3A_523 = vector.shape_cast %swap3A_522 : vector<1x16xf32> to vector<16xf32>
      %swap3A_524 = vector.shape_cast %get3A_518 : vector<16xf32> to vector<1x16xf32>
      tpu.vector_store %arg12[%swap3A_520, %swap3A_521], %swap3A_524 {strides = array<i32>} : memref<40x32xf32, #tpu.memory_space<vmem>>, vector<1x16xf32>,
      %get3A_525 = arith.constant 23 : i32
      %get3A_526 = arith.index_cast %get3A_525 : i32 to index
      %get3A_527 = arith.constant 0 : index
      %get3A_528 = tpu.vector_load %arg11[%get3A_526, %get3A_527] {strides = array<i32>} : memref<40x512xf32, #tpu.memory_space<vmem>>, vector<1x16xf32>,
      %get3A_529 = vector.shape_cast %get3A_528 : vector<1x16xf32> to vector<16xf32>
      %swap3A_530 = arith.constant 23 : i32
      %swap3A_531 = arith.index_cast %swap3A_530 : i32 to index
      %swap3A_532 = arith.constant 0 : index
      %swap3A_533 = tpu.vector_load %arg12[%swap3A_531, %swap3A_532] {strides = array<i32>} : memref<40x32xf32, #tpu.memory_space<vmem>>, vector<1x16xf32>,
      %swap3A_534 = vector.shape_cast %swap3A_533 : vector<1x16xf32> to vector<16xf32>
      %swap3A_535 = vector.shape_cast %get3A_529 : vector<16xf32> to vector<1x16xf32>
      tpu.vector_store %arg12[%swap3A_531, %swap3A_532], %swap3A_535 {strides = array<i32>} : memref<40x32xf32, #tpu.memory_space<vmem>>, vector<1x16xf32>,
      %get3A_536 = arith.constant 23 : i32
      %get3A_537 = arith.index_cast %get3A_536 : i32 to index
      %get3A_538 = arith.constant 16 : index
      %get3A_539 = tpu.vector_load %arg11[%get3A_537, %get3A_538] {strides = array<i32>} : memref<40x512xf32, #tpu.memory_space<vmem>>, vector<1x16xf32>,
      %get3A_540 = vector.shape_cast %get3A_539 : vector<1x16xf32> to vector<16xf32>
      %swap3A_541 = arith.constant 23 : i32
      %swap3A_542 = arith.index_cast %swap3A_541 : i32 to index
      %swap3A_543 = arith.constant 16 : index
      %swap3A_544 = tpu.vector_load %arg12[%swap3A_542, %swap3A_543] {strides = array<i32>} : memref<40x32xf32, #tpu.memory_space<vmem>>, vector<1x16xf32>,
      %swap3A_545 = vector.shape_cast %swap3A_544 : vector<1x16xf32> to vector<16xf32>
      %swap3A_546 = vector.shape_cast %get3A_540 : vector<16xf32> to vector<1x16xf32>
      tpu.vector_store %arg12[%swap3A_542, %swap3A_543], %swap3A_546 {strides = array<i32>} : memref<40x32xf32, #tpu.memory_space<vmem>>, vector<1x16xf32>,
      %get3A_547 = arith.constant 24 : i32
      %get3A_548 = arith.index_cast %get3A_547 : i32 to index
      %get3A_549 = arith.constant 0 : index
      %get3A_550 = tpu.vector_load %arg11[%get3A_548, %get3A_549] {strides = array<i32>} : memref<40x512xf32, #tpu.memory_space<vmem>>, vector<1x16xf32>,
      %get3A_551 = vector.shape_cast %get3A_550 : vector<1x16xf32> to vector<16xf32>
      %swap3A_552 = arith.constant 24 : i32
      %swap3A_553 = arith.index_cast %swap3A_552 : i32 to index
      %swap3A_554 = arith.constant 0 : index
      %swap3A_555 = tpu.vector_load %arg12[%swap3A_553, %swap3A_554] {strides = array<i32>} : memref<40x32xf32, #tpu.memory_space<vmem>>, vector<1x16xf32>,
      %swap3A_556 = vector.shape_cast %swap3A_555 : vector<1x16xf32> to vector<16xf32>
      %swap3A_557 = vector.shape_cast %get3A_551 : vector<16xf32> to vector<1x16xf32>
      tpu.vector_store %arg12[%swap3A_553, %swap3A_554], %swap3A_557 {strides = array<i32>} : memref<40x32xf32, #tpu.memory_space<vmem>>, vector<1x16xf32>,
      %get3A_558 = arith.constant 24 : i32
      %get3A_559 = arith.index_cast %get3A_558 : i32 to index
      %get3A_560 = arith.constant 16 : index
      %get3A_561 = tpu.vector_load %arg11[%get3A_559, %get3A_560] {strides = array<i32>} : memref<40x512xf32, #tpu.memory_space<vmem>>, vector<1x16xf32>,
      %get3A_562 = vector.shape_cast %get3A_561 : vector<1x16xf32> to vector<16xf32>
      %swap3A_563 = arith.constant 24 : i32
      %swap3A_564 = arith.index_cast %swap3A_563 : i32 to index
      %swap3A_565 = arith.constant 16 : index
      %swap3A_566 = tpu.vector_load %arg12[%swap3A_564, %swap3A_565] {strides = array<i32>} : memref<40x32xf32, #tpu.memory_space<vmem>>, vector<1x16xf32>,
      %swap3A_567 = vector.shape_cast %swap3A_566 : vector<1x16xf32> to vector<16xf32>
      %swap3A_568 = vector.shape_cast %get3A_562 : vector<16xf32> to vector<1x16xf32>
      tpu.vector_store %arg12[%swap3A_564, %swap3A_565], %swap3A_568 {strides = array<i32>} : memref<40x32xf32, #tpu.memory_space<vmem>>, vector<1x16xf32>,
      %get3A_569 = arith.constant 25 : i32
      %get3A_570 = arith.index_cast %get3A_569 : i32 to index
      %get3A_571 = arith.constant 0 : index
      %get3A_572 = tpu.vector_load %arg11[%get3A_570, %get3A_571] {strides = array<i32>} : memref<40x512xf32, #tpu.memory_space<vmem>>, vector<1x16xf32>,
      %get3A_573 = vector.shape_cast %get3A_572 : vector<1x16xf32> to vector<16xf32>
      %swap3A_574 = arith.constant 25 : i32
      %swap3A_575 = arith.index_cast %swap3A_574 : i32 to index
      %swap3A_576 = arith.constant 0 : index
      %swap3A_577 = tpu.vector_load %arg12[%swap3A_575, %swap3A_576] {strides = array<i32>} : memref<40x32xf32, #tpu.memory_space<vmem>>, vector<1x16xf32>,
      %swap3A_578 = vector.shape_cast %swap3A_577 : vector<1x16xf32> to vector<16xf32>
      %swap3A_579 = vector.shape_cast %get3A_573 : vector<16xf32> to vector<1x16xf32>
      tpu.vector_store %arg12[%swap3A_575, %swap3A_576], %swap3A_579 {strides = array<i32>} : memref<40x32xf32, #tpu.memory_space<vmem>>, vector<1x16xf32>,
      %get3A_580 = arith.constant 25 : i32
      %get3A_581 = arith.index_cast %get3A_580 : i32 to index
      %get3A_582 = arith.constant 16 : index
      %get3A_583 = tpu.vector_load %arg11[%get3A_581, %get3A_582] {strides = array<i32>} : memref<40x512xf32, #tpu.memory_space<vmem>>, vector<1x16xf32>,
      %get3A_584 = vector.shape_cast %get3A_583 : vector<1x16xf32> to vector<16xf32>
      %swap3A_585 = arith.constant 25 : i32
      %swap3A_586 = arith.index_cast %swap3A_585 : i32 to index
      %swap3A_587 = arith.constant 16 : index
      %swap3A_588 = tpu.vector_load %arg12[%swap3A_586, %swap3A_587] {strides = array<i32>} : memref<40x32xf32, #tpu.memory_space<vmem>>, vector<1x16xf32>,
      %swap3A_589 = vector.shape_cast %swap3A_588 : vector<1x16xf32> to vector<16xf32>
      %swap3A_590 = vector.shape_cast %get3A_584 : vector<16xf32> to vector<1x16xf32>
      tpu.vector_store %arg12[%swap3A_586, %swap3A_587], %swap3A_590 {strides = array<i32>} : memref<40x32xf32, #tpu.memory_space<vmem>>, vector<1x16xf32>,
      %get3A_591 = arith.constant 26 : i32
      %get3A_592 = arith.index_cast %get3A_591 : i32 to index
      %get3A_593 = arith.constant 0 : index
      %get3A_594 = tpu.vector_load %arg11[%get3A_592, %get3A_593] {strides = array<i32>} : memref<40x512xf32, #tpu.memory_space<vmem>>, vector<1x16xf32>,
      %get3A_595 = vector.shape_cast %get3A_594 : vector<1x16xf32> to vector<16xf32>
      %swap3A_596 = arith.constant 26 : i32
      %swap3A_597 = arith.index_cast %swap3A_596 : i32 to index
      %swap3A_598 = arith.constant 0 : index
      %swap3A_599 = tpu.vector_load %arg12[%swap3A_597, %swap3A_598] {strides = array<i32>} : memref<40x32xf32, #tpu.memory_space<vmem>>, vector<1x16xf32>,
      %swap3A_600 = vector.shape_cast %swap3A_599 : vector<1x16xf32> to vector<16xf32>
      %swap3A_601 = vector.shape_cast %get3A_595 : vector<16xf32> to vector<1x16xf32>
      tpu.vector_store %arg12[%swap3A_597, %swap3A_598], %swap3A_601 {strides = array<i32>} : memref<40x32xf32, #tpu.memory_space<vmem>>, vector<1x16xf32>,
      %get3A_602 = arith.constant 26 : i32
      %get3A_603 = arith.index_cast %get3A_602 : i32 to index
      %get3A_604 = arith.constant 16 : index
      %get3A_605 = tpu.vector_load %arg11[%get3A_603, %get3A_604] {strides = array<i32>} : memref<40x512xf32, #tpu.memory_space<vmem>>, vector<1x16xf32>,
      %get3A_606 = vector.shape_cast %get3A_605 : vector<1x16xf32> to vector<16xf32>
      %swap3A_607 = arith.constant 26 : i32
      %swap3A_608 = arith.index_cast %swap3A_607 : i32 to index
      %swap3A_609 = arith.constant 16 : index
      %swap3A_610 = tpu.vector_load %arg12[%swap3A_608, %swap3A_609] {strides = array<i32>} : memref<40x32xf32, #tpu.memory_space<vmem>>, vector<1x16xf32>,
      %swap3A_611 = vector.shape_cast %swap3A_610 : vector<1x16xf32> to vector<16xf32>
      %swap3A_612 = vector.shape_cast %get3A_606 : vector<16xf32> to vector<1x16xf32>
      tpu.vector_store %arg12[%swap3A_608, %swap3A_609], %swap3A_612 {strides = array<i32>} : memref<40x32xf32, #tpu.memory_space<vmem>>, vector<1x16xf32>,
      %get3A_613 = arith.constant 27 : i32
      %get3A_614 = arith.index_cast %get3A_613 : i32 to index
      %get3A_615 = arith.constant 0 : index
      %get3A_616 = tpu.vector_load %arg11[%get3A_614, %get3A_615] {strides = array<i32>} : memref<40x512xf32, #tpu.memory_space<vmem>>, vector<1x16xf32>,
      %get3A_617 = vector.shape_cast %get3A_616 : vector<1x16xf32> to vector<16xf32>
      %swap3A_618 = arith.constant 27 : i32
      %swap3A_619 = arith.index_cast %swap3A_618 : i32 to index
      %swap3A_620 = arith.constant 0 : index
      %swap3A_621 = tpu.vector_load %arg12[%swap3A_619, %swap3A_620] {strides = array<i32>} : memref<40x32xf32, #tpu.memory_space<vmem>>, vector<1x16xf32>,
      %swap3A_622 = vector.shape_cast %swap3A_621 : vector<1x16xf32> to vector<16xf32>
      %swap3A_623 = vector.shape_cast %get3A_617 : vector<16xf32> to vector<1x16xf32>
      tpu.vector_store %arg12[%swap3A_619, %swap3A_620], %swap3A_623 {strides = array<i32>} : memref<40x32xf32, #tpu.memory_space<vmem>>, vector<1x16xf32>,
      %get3A_624 = arith.constant 27 : i32
      %get3A_625 = arith.index_cast %get3A_624 : i32 to index
      %get3A_626 = arith.constant 16 : index
      %get3A_627 = tpu.vector_load %arg11[%get3A_625, %get3A_626] {strides = array<i32>} : memref<40x512xf32, #tpu.memory_space<vmem>>, vector<1x16xf32>,
      %get3A_628 = vector.shape_cast %get3A_627 : vector<1x16xf32> to vector<16xf32>
      %swap3A_629 = arith.constant 27 : i32
      %swap3A_630 = arith.index_cast %swap3A_629 : i32 to index
      %swap3A_631 = arith.constant 16 : index
      %swap3A_632 = tpu.vector_load %arg12[%swap3A_630, %swap3A_631] {strides = array<i32>} : memref<40x32xf32, #tpu.memory_space<vmem>>, vector<1x16xf32>,
      %swap3A_633 = vector.shape_cast %swap3A_632 : vector<1x16xf32> to vector<16xf32>
      %swap3A_634 = vector.shape_cast %get3A_628 : vector<16xf32> to vector<1x16xf32>
      tpu.vector_store %arg12[%swap3A_630, %swap3A_631], %swap3A_634 {strides = array<i32>} : memref<40x32xf32, #tpu.memory_space<vmem>>, vector<1x16xf32>,
      %get3A_635 = arith.constant 28 : i32
      %get3A_636 = arith.index_cast %get3A_635 : i32 to index
      %get3A_637 = arith.constant 0 : index
      %get3A_638 = tpu.vector_load %arg11[%get3A_636, %get3A_637] {strides = array<i32>} : memref<40x512xf32, #tpu.memory_space<vmem>>, vector<1x16xf32>,
      %get3A_639 = vector.shape_cast %get3A_638 : vector<1x16xf32> to vector<16xf32>
      %swap3A_640 = arith.constant 28 : i32
      %swap3A_641 = arith.index_cast %swap3A_640 : i32 to index
      %swap3A_642 = arith.constant 0 : index
      %swap3A_643 = tpu.vector_load %arg12[%swap3A_641, %swap3A_642] {strides = array<i32>} : memref<40x32xf32, #tpu.memory_space<vmem>>, vector<1x16xf32>,
      %swap3A_644 = vector.shape_cast %swap3A_643 : vector<1x16xf32> to vector<16xf32>
      %swap3A_645 = vector.shape_cast %get3A_639 : vector<16xf32> to vector<1x16xf32>
      tpu.vector_store %arg12[%swap3A_641, %swap3A_642], %swap3A_645 {strides = array<i32>} : memref<40x32xf32, #tpu.memory_space<vmem>>, vector<1x16xf32>,
      %get3A_646 = arith.constant 28 : i32
      %get3A_647 = arith.index_cast %get3A_646 : i32 to index
      %get3A_648 = arith.constant 16 : index
      %get3A_649 = tpu.vector_load %arg11[%get3A_647, %get3A_648] {strides = array<i32>} : memref<40x512xf32, #tpu.memory_space<vmem>>, vector<1x16xf32>,
      %get3A_650 = vector.shape_cast %get3A_649 : vector<1x16xf32> to vector<16xf32>
      %swap3A_651 = arith.constant 28 : i32
      %swap3A_652 = arith.index_cast %swap3A_651 : i32 to index
      %swap3A_653 = arith.constant 16 : index
      %swap3A_654 = tpu.vector_load %arg12[%swap3A_652, %swap3A_653] {strides = array<i32>} : memref<40x32xf32, #tpu.memory_space<vmem>>, vector<1x16xf32>,
      %swap3A_655 = vector.shape_cast %swap3A_654 : vector<1x16xf32> to vector<16xf32>
      %swap3A_656 = vector.shape_cast %get3A_650 : vector<16xf32> to vector<1x16xf32>
      tpu.vector_store %arg12[%swap3A_652, %swap3A_653], %swap3A_656 {strides = array<i32>} : memref<40x32xf32, #tpu.memory_space<vmem>>, vector<1x16xf32>,
      %get3A_657 = arith.constant 29 : i32
      %get3A_658 = arith.index_cast %get3A_657 : i32 to index
      %get3A_659 = arith.constant 0 : index
      %get3A_660 = tpu.vector_load %arg11[%get3A_658, %get3A_659] {strides = array<i32>} : memref<40x512xf32, #tpu.memory_space<vmem>>, vector<1x16xf32>,
      %get3A_661 = vector.shape_cast %get3A_660 : vector<1x16xf32> to vector<16xf32>
      %swap3A_662 = arith.constant 29 : i32
      %swap3A_663 = arith.index_cast %swap3A_662 : i32 to index
      %swap3A_664 = arith.constant 0 : index
      %swap3A_665 = tpu.vector_load %arg12[%swap3A_663, %swap3A_664] {strides = array<i32>} : memref<40x32xf32, #tpu.memory_space<vmem>>, vector<1x16xf32>,
      %swap3A_666 = vector.shape_cast %swap3A_665 : vector<1x16xf32> to vector<16xf32>
      %swap3A_667 = vector.shape_cast %get3A_661 : vector<16xf32> to vector<1x16xf32>
      tpu.vector_store %arg12[%swap3A_663, %swap3A_664], %swap3A_667 {strides = array<i32>} : memref<40x32xf32, #tpu.memory_space<vmem>>, vector<1x16xf32>,
      %get3A_668 = arith.constant 29 : i32
      %get3A_669 = arith.index_cast %get3A_668 : i32 to index
      %get3A_670 = arith.constant 16 : index
      %get3A_671 = tpu.vector_load %arg11[%get3A_669, %get3A_670] {strides = array<i32>} : memref<40x512xf32, #tpu.memory_space<vmem>>, vector<1x16xf32>,
      %get3A_672 = vector.shape_cast %get3A_671 : vector<1x16xf32> to vector<16xf32>
      %swap3A_673 = arith.constant 29 : i32
      %swap3A_674 = arith.index_cast %swap3A_673 : i32 to index
      %swap3A_675 = arith.constant 16 : index
      %swap3A_676 = tpu.vector_load %arg12[%swap3A_674, %swap3A_675] {strides = array<i32>} : memref<40x32xf32, #tpu.memory_space<vmem>>, vector<1x16xf32>,
      %swap3A_677 = vector.shape_cast %swap3A_676 : vector<1x16xf32> to vector<16xf32>
      %swap3A_678 = vector.shape_cast %get3A_672 : vector<16xf32> to vector<1x16xf32>
      tpu.vector_store %arg12[%swap3A_674, %swap3A_675], %swap3A_678 {strides = array<i32>} : memref<40x32xf32, #tpu.memory_space<vmem>>, vector<1x16xf32>,
      %get3A_679 = arith.constant 30 : i32
      %get3A_680 = arith.index_cast %get3A_679 : i32 to index
      %get3A_681 = arith.constant 0 : index
      %get3A_682 = tpu.vector_load %arg11[%get3A_680, %get3A_681] {strides = array<i32>} : memref<40x512xf32, #tpu.memory_space<vmem>>, vector<1x16xf32>,
      %get3A_683 = vector.shape_cast %get3A_682 : vector<1x16xf32> to vector<16xf32>
      %swap3A_684 = arith.constant 30 : i32
      %swap3A_685 = arith.index_cast %swap3A_684 : i32 to index
      %swap3A_686 = arith.constant 0 : index
      %swap3A_687 = tpu.vector_load %arg12[%swap3A_685, %swap3A_686] {strides = array<i32>} : memref<40x32xf32, #tpu.memory_space<vmem>>, vector<1x16xf32>,
      %swap3A_688 = vector.shape_cast %swap3A_687 : vector<1x16xf32> to vector<16xf32>
      %swap3A_689 = vector.shape_cast %get3A_683 : vector<16xf32> to vector<1x16xf32>
      tpu.vector_store %arg12[%swap3A_685, %swap3A_686], %swap3A_689 {strides = array<i32>} : memref<40x32xf32, #tpu.memory_space<vmem>>, vector<1x16xf32>,
      %get3A_690 = arith.constant 30 : i32
      %get3A_691 = arith.index_cast %get3A_690 : i32 to index
      %get3A_692 = arith.constant 16 : index
      %get3A_693 = tpu.vector_load %arg11[%get3A_691, %get3A_692] {strides = array<i32>} : memref<40x512xf32, #tpu.memory_space<vmem>>, vector<1x16xf32>,
      %get3A_694 = vector.shape_cast %get3A_693 : vector<1x16xf32> to vector<16xf32>
      %swap3A_695 = arith.constant 30 : i32
      %swap3A_696 = arith.index_cast %swap3A_695 : i32 to index
      %swap3A_697 = arith.constant 16 : index
      %swap3A_698 = tpu.vector_load %arg12[%swap3A_696, %swap3A_697] {strides = array<i32>} : memref<40x32xf32, #tpu.memory_space<vmem>>, vector<1x16xf32>,
      %swap3A_699 = vector.shape_cast %swap3A_698 : vector<1x16xf32> to vector<16xf32>
      %swap3A_700 = vector.shape_cast %get3A_694 : vector<16xf32> to vector<1x16xf32>
      tpu.vector_store %arg12[%swap3A_696, %swap3A_697], %swap3A_700 {strides = array<i32>} : memref<40x32xf32, #tpu.memory_space<vmem>>, vector<1x16xf32>,
      %get3A_701 = arith.constant 31 : i32
      %get3A_702 = arith.index_cast %get3A_701 : i32 to index
      %get3A_703 = arith.constant 0 : index
      %get3A_704 = tpu.vector_load %arg11[%get3A_702, %get3A_703] {strides = array<i32>} : memref<40x512xf32, #tpu.memory_space<vmem>>, vector<1x16xf32>,
      %get3A_705 = vector.shape_cast %get3A_704 : vector<1x16xf32> to vector<16xf32>
      %swap3A_706 = arith.constant 31 : i32
      %swap3A_707 = arith.index_cast %swap3A_706 : i32 to index
      %swap3A_708 = arith.constant 0 : index
      %swap3A_709 = tpu.vector_load %arg12[%swap3A_707, %swap3A_708] {strides = array<i32>} : memref<40x32xf32, #tpu.memory_space<vmem>>, vector<1x16xf32>,
      %swap3A_710 = vector.shape_cast %swap3A_709 : vector<1x16xf32> to vector<16xf32>
      %swap3A_711 = vector.shape_cast %get3A_705 : vector<16xf32> to vector<1x16xf32>
      tpu.vector_store %arg12[%swap3A_707, %swap3A_708], %swap3A_711 {strides = array<i32>} : memref<40x32xf32, #tpu.memory_space<vmem>>, vector<1x16xf32>,
      %get3A_712 = arith.constant 31 : i32
      %get3A_713 = arith.index_cast %get3A_712 : i32 to index
      %get3A_714 = arith.constant 16 : index
      %get3A_715 = tpu.vector_load %arg11[%get3A_713, %get3A_714] {strides = array<i32>} : memref<40x512xf32, #tpu.memory_space<vmem>>, vector<1x16xf32>,
      %get3A_716 = vector.shape_cast %get3A_715 : vector<1x16xf32> to vector<16xf32>
      %swap3A_717 = arith.constant 31 : i32
      %swap3A_718 = arith.index_cast %swap3A_717 : i32 to index
      %swap3A_719 = arith.constant 16 : index
      %swap3A_720 = tpu.vector_load %arg12[%swap3A_718, %swap3A_719] {strides = array<i32>} : memref<40x32xf32, #tpu.memory_space<vmem>>, vector<1x16xf32>,
      %swap3A_721 = vector.shape_cast %swap3A_720 : vector<1x16xf32> to vector<16xf32>
      %swap3A_722 = vector.shape_cast %get3A_716 : vector<16xf32> to vector<1x16xf32>
      tpu.vector_store %arg12[%swap3A_718, %swap3A_719], %swap3A_722 {strides = array<i32>} : memref<40x32xf32, #tpu.memory_space<vmem>>, vector<1x16xf32>,
      %get3A_723 = arith.constant 32 : i32
      %get3A_724 = arith.index_cast %get3A_723 : i32 to index
      %get3A_725 = arith.constant 0 : index
      %get3A_726 = tpu.vector_load %arg11[%get3A_724, %get3A_725] {strides = array<i32>} : memref<40x512xf32, #tpu.memory_space<vmem>>, vector<1x16xf32>,
      %get3A_727 = vector.shape_cast %get3A_726 : vector<1x16xf32> to vector<16xf32>
      %swap3A_728 = arith.constant 32 : i32
      %swap3A_729 = arith.index_cast %swap3A_728 : i32 to index
      %swap3A_730 = arith.constant 0 : index
      %swap3A_731 = tpu.vector_load %arg12[%swap3A_729, %swap3A_730] {strides = array<i32>} : memref<40x32xf32, #tpu.memory_space<vmem>>, vector<1x16xf32>,
      %swap3A_732 = vector.shape_cast %swap3A_731 : vector<1x16xf32> to vector<16xf32>
      %swap3A_733 = vector.shape_cast %get3A_727 : vector<16xf32> to vector<1x16xf32>
      tpu.vector_store %arg12[%swap3A_729, %swap3A_730], %swap3A_733 {strides = array<i32>} : memref<40x32xf32, #tpu.memory_space<vmem>>, vector<1x16xf32>,
      %get3A_734 = arith.constant 32 : i32
      %get3A_735 = arith.index_cast %get3A_734 : i32 to index
      %get3A_736 = arith.constant 16 : index
      %get3A_737 = tpu.vector_load %arg11[%get3A_735, %get3A_736] {strides = array<i32>} : memref<40x512xf32, #tpu.memory_space<vmem>>, vector<1x16xf32>,
      %get3A_738 = vector.shape_cast %get3A_737 : vector<1x16xf32> to vector<16xf32>
      %swap3A_739 = arith.constant 32 : i32
      %swap3A_740 = arith.index_cast %swap3A_739 : i32 to index
      %swap3A_741 = arith.constant 16 : index
      %swap3A_742 = tpu.vector_load %arg12[%swap3A_740, %swap3A_741] {strides = array<i32>} : memref<40x32xf32, #tpu.memory_space<vmem>>, vector<1x16xf32>,
      %swap3A_743 = vector.shape_cast %swap3A_742 : vector<1x16xf32> to vector<16xf32>
      %swap3A_744 = vector.shape_cast %get3A_738 : vector<16xf32> to vector<1x16xf32>
      tpu.vector_store %arg12[%swap3A_740, %swap3A_741], %swap3A_744 {strides = array<i32>} : memref<40x32xf32, #tpu.memory_space<vmem>>, vector<1x16xf32>,
      %get3A_745 = arith.constant 33 : i32
      %get3A_746 = arith.index_cast %get3A_745 : i32 to index
      %get3A_747 = arith.constant 0 : index
      %get3A_748 = tpu.vector_load %arg11[%get3A_746, %get3A_747] {strides = array<i32>} : memref<40x512xf32, #tpu.memory_space<vmem>>, vector<1x16xf32>,
      %get3A_749 = vector.shape_cast %get3A_748 : vector<1x16xf32> to vector<16xf32>
      %swap3A_750 = arith.constant 33 : i32
      %swap3A_751 = arith.index_cast %swap3A_750 : i32 to index
      %swap3A_752 = arith.constant 0 : index
      %swap3A_753 = tpu.vector_load %arg12[%swap3A_751, %swap3A_752] {strides = array<i32>} : memref<40x32xf32, #tpu.memory_space<vmem>>, vector<1x16xf32>,
      %swap3A_754 = vector.shape_cast %swap3A_753 : vector<1x16xf32> to vector<16xf32>
      %swap3A_755 = vector.shape_cast %get3A_749 : vector<16xf32> to vector<1x16xf32>
      tpu.vector_store %arg12[%swap3A_751, %swap3A_752], %swap3A_755 {strides = array<i32>} : memref<40x32xf32, #tpu.memory_space<vmem>>, vector<1x16xf32>,
      %get3A_756 = arith.constant 33 : i32
      %get3A_757 = arith.index_cast %get3A_756 : i32 to index
      %get3A_758 = arith.constant 16 : index
      %get3A_759 = tpu.vector_load %arg11[%get3A_757, %get3A_758] {strides = array<i32>} : memref<40x512xf32, #tpu.memory_space<vmem>>, vector<1x16xf32>,
      %get3A_760 = vector.shape_cast %get3A_759 : vector<1x16xf32> to vector<16xf32>
      %swap3A_761 = arith.constant 33 : i32
      %swap3A_762 = arith.index_cast %swap3A_761 : i32 to index
      %swap3A_763 = arith.constant 16 : index
      %swap3A_764 = tpu.vector_load %arg12[%swap3A_762, %swap3A_763] {strides = array<i32>} : memref<40x32xf32, #tpu.memory_space<vmem>>, vector<1x16xf32>,
      %swap3A_765 = vector.shape_cast %swap3A_764 : vector<1x16xf32> to vector<16xf32>
      %swap3A_766 = vector.shape_cast %get3A_760 : vector<16xf32> to vector<1x16xf32>
      tpu.vector_store %arg12[%swap3A_762, %swap3A_763], %swap3A_766 {strides = array<i32>} : memref<40x32xf32, #tpu.memory_space<vmem>>, vector<1x16xf32>,
      %get3A_767 = arith.constant 34 : i32
      %get3A_768 = arith.index_cast %get3A_767 : i32 to index
      %get3A_769 = arith.constant 0 : index
      %get3A_770 = tpu.vector_load %arg11[%get3A_768, %get3A_769] {strides = array<i32>} : memref<40x512xf32, #tpu.memory_space<vmem>>, vector<1x16xf32>,
      %get3A_771 = vector.shape_cast %get3A_770 : vector<1x16xf32> to vector<16xf32>
      %swap3A_772 = arith.constant 34 : i32
      %swap3A_773 = arith.index_cast %swap3A_772 : i32 to index
      %swap3A_774 = arith.constant 0 : index
      %swap3A_775 = tpu.vector_load %arg12[%swap3A_773, %swap3A_774] {strides = array<i32>} : memref<40x32xf32, #tpu.memory_space<vmem>>, vector<1x16xf32>,
      %swap3A_776 = vector.shape_cast %swap3A_775 : vector<1x16xf32> to vector<16xf32>
      %swap3A_777 = vector.shape_cast %get3A_771 : vector<16xf32> to vector<1x16xf32>
      tpu.vector_store %arg12[%swap3A_773, %swap3A_774], %swap3A_777 {strides = array<i32>} : memref<40x32xf32, #tpu.memory_space<vmem>>, vector<1x16xf32>,
      %get3A_778 = arith.constant 34 : i32
      %get3A_779 = arith.index_cast %get3A_778 : i32 to index
      %get3A_780 = arith.constant 16 : index
      %get3A_781 = tpu.vector_load %arg11[%get3A_779, %get3A_780] {strides = array<i32>} : memref<40x512xf32, #tpu.memory_space<vmem>>, vector<1x16xf32>,
      %get3A_782 = vector.shape_cast %get3A_781 : vector<1x16xf32> to vector<16xf32>
      %swap3A_783 = arith.constant 34 : i32
      %swap3A_784 = arith.index_cast %swap3A_783 : i32 to index
      %swap3A_785 = arith.constant 16 : index
      %swap3A_786 = tpu.vector_load %arg12[%swap3A_784, %swap3A_785] {strides = array<i32>} : memref<40x32xf32, #tpu.memory_space<vmem>>, vector<1x16xf32>,
      %swap3A_787 = vector.shape_cast %swap3A_786 : vector<1x16xf32> to vector<16xf32>
      %swap3A_788 = vector.shape_cast %get3A_782 : vector<16xf32> to vector<1x16xf32>
      tpu.vector_store %arg12[%swap3A_784, %swap3A_785], %swap3A_788 {strides = array<i32>} : memref<40x32xf32, #tpu.memory_space<vmem>>, vector<1x16xf32>,
      %get3A_789 = arith.constant 35 : i32
      %get3A_790 = arith.index_cast %get3A_789 : i32 to index
      %get3A_791 = arith.constant 0 : index
      %get3A_792 = tpu.vector_load %arg11[%get3A_790, %get3A_791] {strides = array<i32>} : memref<40x512xf32, #tpu.memory_space<vmem>>, vector<1x16xf32>,
      %get3A_793 = vector.shape_cast %get3A_792 : vector<1x16xf32> to vector<16xf32>
      %swap3A_794 = arith.constant 35 : i32
      %swap3A_795 = arith.index_cast %swap3A_794 : i32 to index
      %swap3A_796 = arith.constant 0 : index
      %swap3A_797 = tpu.vector_load %arg12[%swap3A_795, %swap3A_796] {strides = array<i32>} : memref<40x32xf32, #tpu.memory_space<vmem>>, vector<1x16xf32>,
      %swap3A_798 = vector.shape_cast %swap3A_797 : vector<1x16xf32> to vector<16xf32>
      %swap3A_799 = vector.shape_cast %get3A_793 : vector<16xf32> to vector<1x16xf32>
      tpu.vector_store %arg12[%swap3A_795, %swap3A_796], %swap3A_799 {strides = array<i32>} : memref<40x32xf32, #tpu.memory_space<vmem>>, vector<1x16xf32>,
      %get3A_800 = arith.constant 35 : i32
      %get3A_801 = arith.index_cast %get3A_800 : i32 to index
      %get3A_802 = arith.constant 16 : index
      %get3A_803 = tpu.vector_load %arg11[%get3A_801, %get3A_802] {strides = array<i32>} : memref<40x512xf32, #tpu.memory_space<vmem>>, vector<1x16xf32>,
      %get3A_804 = vector.shape_cast %get3A_803 : vector<1x16xf32> to vector<16xf32>
      %swap3A_805 = arith.constant 35 : i32
      %swap3A_806 = arith.index_cast %swap3A_805 : i32 to index
      %swap3A_807 = arith.constant 16 : index
      %swap3A_808 = tpu.vector_load %arg12[%swap3A_806, %swap3A_807] {strides = array<i32>} : memref<40x32xf32, #tpu.memory_space<vmem>>, vector<1x16xf32>,
      %swap3A_809 = vector.shape_cast %swap3A_808 : vector<1x16xf32> to vector<16xf32>
      %swap3A_810 = vector.shape_cast %get3A_804 : vector<16xf32> to vector<1x16xf32>
      tpu.vector_store %arg12[%swap3A_806, %swap3A_807], %swap3A_810 {strides = array<i32>} : memref<40x32xf32, #tpu.memory_space<vmem>>, vector<1x16xf32>,
      %get3A_811 = arith.constant 36 : i32
      %get3A_812 = arith.index_cast %get3A_811 : i32 to index
      %get3A_813 = arith.constant 0 : index
      %get3A_814 = tpu.vector_load %arg11[%get3A_812, %get3A_813] {strides = array<i32>} : memref<40x512xf32, #tpu.memory_space<vmem>>, vector<1x16xf32>,
      %get3A_815 = vector.shape_cast %get3A_814 : vector<1x16xf32> to vector<16xf32>
      %swap3A_816 = arith.constant 36 : i32
      %swap3A_817 = arith.index_cast %swap3A_816 : i32 to index
      %swap3A_818 = arith.constant 0 : index
      %swap3A_819 = tpu.vector_load %arg12[%swap3A_817, %swap3A_818] {strides = array<i32>} : memref<40x32xf32, #tpu.memory_space<vmem>>, vector<1x16xf32>,
      %swap3A_820 = vector.shape_cast %swap3A_819 : vector<1x16xf32> to vector<16xf32>
      %swap3A_821 = vector.shape_cast %get3A_815 : vector<16xf32> to vector<1x16xf32>
      tpu.vector_store %arg12[%swap3A_817, %swap3A_818], %swap3A_821 {strides = array<i32>} : memref<40x32xf32, #tpu.memory_space<vmem>>, vector<1x16xf32>,
      %get3A_822 = arith.constant 36 : i32
      %get3A_823 = arith.index_cast %get3A_822 : i32 to index
      %get3A_824 = arith.constant 16 : index
      %get3A_825 = tpu.vector_load %arg11[%get3A_823, %get3A_824] {strides = array<i32>} : memref<40x512xf32, #tpu.memory_space<vmem>>, vector<1x16xf32>,
      %get3A_826 = vector.shape_cast %get3A_825 : vector<1x16xf32> to vector<16xf32>
      %swap3A_827 = arith.constant 36 : i32
      %swap3A_828 = arith.index_cast %swap3A_827 : i32 to index
      %swap3A_829 = arith.constant 16 : index
      %swap3A_830 = tpu.vector_load %arg12[%swap3A_828, %swap3A_829] {strides = array<i32>} : memref<40x32xf32, #tpu.memory_space<vmem>>, vector<1x16xf32>,
      %swap3A_831 = vector.shape_cast %swap3A_830 : vector<1x16xf32> to vector<16xf32>
      %swap3A_832 = vector.shape_cast %get3A_826 : vector<16xf32> to vector<1x16xf32>
      tpu.vector_store %arg12[%swap3A_828, %swap3A_829], %swap3A_832 {strides = array<i32>} : memref<40x32xf32, #tpu.memory_space<vmem>>, vector<1x16xf32>,
      %get3A_833 = arith.constant 37 : i32
      %get3A_834 = arith.index_cast %get3A_833 : i32 to index
      %get3A_835 = arith.constant 0 : index
      %get3A_836 = tpu.vector_load %arg11[%get3A_834, %get3A_835] {strides = array<i32>} : memref<40x512xf32, #tpu.memory_space<vmem>>, vector<1x16xf32>,
      %get3A_837 = vector.shape_cast %get3A_836 : vector<1x16xf32> to vector<16xf32>
      %swap3A_838 = arith.constant 37 : i32
      %swap3A_839 = arith.index_cast %swap3A_838 : i32 to index
      %swap3A_840 = arith.constant 0 : index
      %swap3A_841 = tpu.vector_load %arg12[%swap3A_839, %swap3A_840] {strides = array<i32>} : memref<40x32xf32, #tpu.memory_space<vmem>>, vector<1x16xf32>,
      %swap3A_842 = vector.shape_cast %swap3A_841 : vector<1x16xf32> to vector<16xf32>
      %swap3A_843 = vector.shape_cast %get3A_837 : vector<16xf32> to vector<1x16xf32>
      tpu.vector_store %arg12[%swap3A_839, %swap3A_840], %swap3A_843 {strides = array<i32>} : memref<40x32xf32, #tpu.memory_space<vmem>>, vector<1x16xf32>,
      %get3A_844 = arith.constant 37 : i32
      %get3A_845 = arith.index_cast %get3A_844 : i32 to index
      %get3A_846 = arith.constant 16 : index
      %get3A_847 = tpu.vector_load %arg11[%get3A_845, %get3A_846] {strides = array<i32>} : memref<40x512xf32, #tpu.memory_space<vmem>>, vector<1x16xf32>,
      %get3A_848 = vector.shape_cast %get3A_847 : vector<1x16xf32> to vector<16xf32>
      %swap3A_849 = arith.constant 37 : i32
      %swap3A_850 = arith.index_cast %swap3A_849 : i32 to index
      %swap3A_851 = arith.constant 16 : index
      %swap3A_852 = tpu.vector_load %arg12[%swap3A_850, %swap3A_851] {strides = array<i32>} : memref<40x32xf32, #tpu.memory_space<vmem>>, vector<1x16xf32>,
      %swap3A_853 = vector.shape_cast %swap3A_852 : vector<1x16xf32> to vector<16xf32>
      %swap3A_854 = vector.shape_cast %get3A_848 : vector<16xf32> to vector<1x16xf32>
      tpu.vector_store %arg12[%swap3A_850, %swap3A_851], %swap3A_854 {strides = array<i32>} : memref<40x32xf32, #tpu.memory_space<vmem>>, vector<1x16xf32>,
      %get3A_855 = arith.constant 38 : i32
      %get3A_856 = arith.index_cast %get3A_855 : i32 to index
      %get3A_857 = arith.constant 0 : index
      %get3A_858 = tpu.vector_load %arg11[%get3A_856, %get3A_857] {strides = array<i32>} : memref<40x512xf32, #tpu.memory_space<vmem>>, vector<1x16xf32>,
      %get3A_859 = vector.shape_cast %get3A_858 : vector<1x16xf32> to vector<16xf32>
      %swap3A_860 = arith.constant 38 : i32
      %swap3A_861 = arith.index_cast %swap3A_860 : i32 to index
      %swap3A_862 = arith.constant 0 : index
      %swap3A_863 = tpu.vector_load %arg12[%swap3A_861, %swap3A_862] {strides = array<i32>} : memref<40x32xf32, #tpu.memory_space<vmem>>, vector<1x16xf32>,
      %swap3A_864 = vector.shape_cast %swap3A_863 : vector<1x16xf32> to vector<16xf32>
      %swap3A_865 = vector.shape_cast %get3A_859 : vector<16xf32> to vector<1x16xf32>
      tpu.vector_store %arg12[%swap3A_861, %swap3A_862], %swap3A_865 {strides = array<i32>} : memref<40x32xf32, #tpu.memory_space<vmem>>, vector<1x16xf32>,
      %get3A_866 = arith.constant 38 : i32
      %get3A_867 = arith.index_cast %get3A_866 : i32 to index
      %get3A_868 = arith.constant 16 : index
      %get3A_869 = tpu.vector_load %arg11[%get3A_867, %get3A_868] {strides = array<i32>} : memref<40x512xf32, #tpu.memory_space<vmem>>, vector<1x16xf32>,
      %get3A_870 = vector.shape_cast %get3A_869 : vector<1x16xf32> to vector<16xf32>
      %swap3A_871 = arith.constant 38 : i32
      %swap3A_872 = arith.index_cast %swap3A_871 : i32 to index
      %swap3A_873 = arith.constant 16 : index
      %swap3A_874 = tpu.vector_load %arg12[%swap3A_872, %swap3A_873] {strides = array<i32>} : memref<40x32xf32, #tpu.memory_space<vmem>>, vector<1x16xf32>,
      %swap3A_875 = vector.shape_cast %swap3A_874 : vector<1x16xf32> to vector<16xf32>
      %swap3A_876 = vector.shape_cast %get3A_870 : vector<16xf32> to vector<1x16xf32>
      tpu.vector_store %arg12[%swap3A_872, %swap3A_873], %swap3A_876 {strides = array<i32>} : memref<40x32xf32, #tpu.memory_space<vmem>>, vector<1x16xf32>,
      %get3A_877 = arith.constant 39 : i32
      %get3A_878 = arith.index_cast %get3A_877 : i32 to index
      %get3A_879 = arith.constant 0 : index
      %get3A_880 = tpu.vector_load %arg11[%get3A_878, %get3A_879] {strides = array<i32>} : memref<40x512xf32, #tpu.memory_space<vmem>>, vector<1x16xf32>,
      %get3A_881 = vector.shape_cast %get3A_880 : vector<1x16xf32> to vector<16xf32>
      %swap3A_882 = arith.constant 39 : i32
      %swap3A_883 = arith.index_cast %swap3A_882 : i32 to index
      %swap3A_884 = arith.constant 0 : index
      %swap3A_885 = tpu.vector_load %arg12[%swap3A_883, %swap3A_884] {strides = array<i32>} : memref<40x32xf32, #tpu.memory_space<vmem>>, vector<1x16xf32>,
      %swap3A_886 = vector.shape_cast %swap3A_885 : vector<1x16xf32> to vector<16xf32>
      %swap3A_887 = vector.shape_cast %get3A_881 : vector<16xf32> to vector<1x16xf32>
      tpu.vector_store %arg12[%swap3A_883, %swap3A_884], %swap3A_887 {strides = array<i32>} : memref<40x32xf32, #tpu.memory_space<vmem>>, vector<1x16xf32>,
      %get3A_888 = arith.constant 39 : i32
      %get3A_889 = arith.index_cast %get3A_888 : i32 to index
      %get3A_890 = arith.constant 16 : index
      %get3A_891 = tpu.vector_load %arg11[%get3A_889, %get3A_890] {strides = array<i32>} : memref<40x512xf32, #tpu.memory_space<vmem>>, vector<1x16xf32>,
      %get3A_892 = vector.shape_cast %get3A_891 : vector<1x16xf32> to vector<16xf32>
      %swap3A_893 = arith.constant 39 : i32
      %swap3A_894 = arith.index_cast %swap3A_893 : i32 to index
      %swap3A_895 = arith.constant 16 : index
      %swap3A_896 = tpu.vector_load %arg12[%swap3A_894, %swap3A_895] {strides = array<i32>} : memref<40x32xf32, #tpu.memory_space<vmem>>, vector<1x16xf32>,
      %swap3A_897 = vector.shape_cast %swap3A_896 : vector<1x16xf32> to vector<16xf32>
      %swap3A_898 = vector.shape_cast %get3A_892 : vector<16xf32> to vector<1x16xf32>
      tpu.vector_store %arg12[%swap3A_894, %swap3A_895], %swap3A_898 {strides = array<i32>} : memref<40x32xf32, #tpu.memory_space<vmem>>, vector<1x16xf32>,
      "tpu.region"() ({
        %run_scoped3A = tpu.sem_alloc : memref<!tpu.dma_semaphore, #tpu.memory_space<semaphore_mem>>
        %dma_start3A = arith.constant 0 : i32
        %dma_start3A_899 = arith.constant 0 : i32
        %dma_start3A_900 = tpu.memref_slice %arg13[%dma_start3A, %dma_start3A_899] : memref<10240x32xf32, #tpu.memory_space<vmem_shared>> -> memref<10240x32xf32, #tpu.memory_space<vmem_shared>>
        tpu.enqueue_indirect_dma source(%arg12 : memref<40x32xf32, #tpu.memory_space<vmem>>) target(%dma_start3A_900 : memref<10240x32xf32, #tpu.memory_space<vmem_shared>>) offsets(%arg9 : memref<40xi32, #tpu.memory_space<vmem>>) semaphore(%run_scoped3A : memref<!tpu.dma_semaphore, #tpu.memory_space<semaphore_mem>>) {add = true}
        %dma_wait3A = arith.constant 0 : i32
        %dma_wait3A_901 = arith.constant 0 : i32
        %dma_wait3A_902 = tpu.memref_slice %arg13[%dma_wait3A, %dma_wait3A_901] : memref<10240x32xf32, #tpu.memory_space<vmem_shared>> -> memref<10240x32xf32, #tpu.memory_space<vmem_shared>>
        tpu.wait_indirect_dma semaphore(%run_scoped3A : memref<!tpu.dma_semaphore, #tpu.memory_space<semaphore_mem>>) src(%arg12 : memref<40x32xf32, #tpu.memory_space<vmem>>) dst(%dma_wait3A_902 : memref<10240x32xf32, #tpu.memory_space<vmem_shared>>)
        tpu.yield
      }) : () -> ()
    }
    %scan3A_11 = arith.constant 125 : i32
    %barrier3A_12 = arith.constant 0 : index
    tpu.barrier barrier_id(%barrier3A_12)
    %mul3A_13 = arith.constant 640 : i32
    %mul3A_14 = arith.muli %arg1, %mul3A_13 : i32
    %mul3A_15 = arith.constant 640 : i32
    %mul3A_16 = arith.muli %arg1, %mul3A_15 : i32
    "tpu.region"() ({
      %run_scoped3A = tpu.sem_alloc : memref<!tpu.dma_semaphore, #tpu.memory_space<semaphore_mem>>
      %dma_start3A = arith.constant 0 : i32
      %dma_start3A_17 = tpu.memref_slice %arg7[%arg0, %mul3A_16, %dma_start3A] : memref<2x10240x32xf32, #tpu.memory_space<hbm>> -> memref<1x640x32xf32, #tpu.memory_space<hbm>>
      %dma_start3A_18 = tpu.memref_squeeze %dma_start3A_17 : memref<1x640x32xf32, #tpu.memory_space<hbm>> -> memref<640x32xf32, #tpu.memory_space<hbm>>
      %dma_start3A_19 = arith.constant 0 : i32
      %dma_start3A_20 = tpu.memref_slice %arg13[%mul3A_14, %dma_start3A_19] : memref<10240x32xf32, #tpu.memory_space<vmem_shared>> -> memref<640x32xf32, #tpu.memory_space<vmem_shared>>
      tpu.enqueue_dma source(%dma_start3A_20 : memref<640x32xf32, #tpu.memory_space<vmem_shared>>) target(%dma_start3A_18 : memref<640x32xf32, #tpu.memory_space<hbm>>) target_semaphore(%run_scoped3A : memref<!tpu.dma_semaphore, #tpu.memory_space<semaphore_mem>>)
      %dma_wait3A = arith.constant 0 : i32
      %dma_wait3A_21 = tpu.memref_slice %arg7[%arg0, %mul3A_16, %dma_wait3A] : memref<2x10240x32xf32, #tpu.memory_space<hbm>> -> memref<1x640x32xf32, #tpu.memory_space<hbm>>
      %dma_wait3A_22 = tpu.memref_squeeze %dma_wait3A_21 : memref<1x640x32xf32, #tpu.memory_space<hbm>> -> memref<640x32xf32, #tpu.memory_space<hbm>>
      %dma_wait3A_23 = arith.constant 0 : i32
      %dma_wait3A_24 = tpu.memref_slice %arg13[%mul3A_14, %dma_wait3A_23] : memref<10240x32xf32, #tpu.memory_space<vmem_shared>> -> memref<640x32xf32, #tpu.memory_space<vmem_shared>>
      tpu.wait_dma2 semaphore(%run_scoped3A : memref<!tpu.dma_semaphore, #tpu.memory_space<semaphore_mem>>) src(%dma_wait3A_24 : memref<640x32xf32, #tpu.memory_space<vmem_shared>>) dst(%dma_wait3A_22 : memref<640x32xf32, #tpu.memory_space<hbm>>)
      tpu.yield
    }) : () -> ()
    return
  }
}

module attributes {stable_mosaic.version = 14 : i64} {
  func.func @_t_kernel(%arg0: i32, %arg1: memref<2000x32xf32, #tpu.memory_space<vmem>>, %arg2: memref<32x512xf32, #tpu.memory_space<vmem>>, %arg3: memref<2000x512xf32, #tpu.memory_space<vmem>>) attributes {dimension_semantics = [#tpu.dimension_semantics<arbitrary>], iteration_bounds = array<i64: 5>, scalar_prefetch = 0 : i64, scratch_operands = 0 : i64, tpu.core_type = #tpu.core_type<tc>, window_params = [{transform_indices = @transform_0, window_bounds = array<i64: 2000, 32>}, {pipeline_mode = #tpu.pipeline_mode<synchronous>, transform_indices = @transform_1, window_bounds = array<i64: 32, 512>}, {transform_indices = @transform_2, window_bounds = array<i64: 2000, 512>}]} {
    %get3A = arith.constant 0 : index
    %get3A_0 = arith.constant 0 : index
    %get3A_1 = vector.load %arg1[%get3A, %get3A_0] : memref<2000x32xf32, #tpu.memory_space<vmem>>, vector<2000x32xf32>
    %get3A_2 = arith.constant 0 : index
    %get3A_3 = arith.constant 0 : index
    %get3A_4 = vector.load %arg2[%get3A_2, %get3A_3] : memref<32x512xf32, #tpu.memory_space<vmem>>, vector<32x512xf32>
    %dot_general3A = arith.constant dense<0.000000e+00> : vector<2000x512xf32>
    %dot_general3A_5 = tpu.matmul %get3A_1, %get3A_4, %dot_general3A {dimension_numbers = #tpu.dot_dimension_numbers<[1], [0], [0], [1], [0, 0, 1, 1], [], []>, transpose_lhs_hint = false} : vector<2000x32xf32>, vector<32x512xf32>, vector<2000x512xf32> -> vector<2000x512xf32>
    %swap3A = arith.constant 0 : index
    %swap3A_6 = arith.constant 0 : index
    %swap3A_7 = vector.load %arg3[%swap3A, %swap3A_6] : memref<2000x512xf32, #tpu.memory_space<vmem>>, vector<2000x512xf32>
    tpu.vector_store %arg3[%swap3A, %swap3A_6], %dot_general3A_5 {strides = array<i32>} : memref<2000x512xf32, #tpu.memory_space<vmem>>, vector<2000x512xf32>,
    return
  }
  func.func @transform_0(%arg0: i32) -> (i32, i32) {
    %c0_i32 = arith.constant 0 : i32
    %c0_i32_0 = arith.constant 0 : i32
    return %arg0, %c0_i32 : i32, i32
  }
  func.func @transform_1(%arg0: i32) -> (i32, i32) {
    %c0_i32 = arith.constant 0 : i32
    %c0_i32_0 = arith.constant 0 : i32
    %c0_i32_1 = arith.constant 0 : i32
    return %c0_i32, %c0_i32_0 : i32, i32
  }
  func.func @transform_2(%arg0: i32) -> (i32, i32) {
    %c0_i32 = arith.constant 0 : i32
    %c0_i32_0 = arith.constant 0 : i32
    return %arg0, %c0_i32 : i32, i32
  }
}

module attributes {stable_mosaic.version = 14 : i64} {
  func.func @_node_kernel(%arg0: i32, %arg1: memref<2000x32xf32, #tpu.memory_space<vmem>>, %arg2: memref<2x2000x32xf32, #tpu.memory_space<vmem>>, %arg3: memref<32x32xf32, #tpu.memory_space<vmem>>, %arg4: memref<32x96xf32, #tpu.memory_space<vmem>>, %arg5: memref<32x96xf32, #tpu.memory_space<vmem>>, %arg6: memref<1x32xf32, #tpu.memory_space<vmem>>, %arg7: memref<1x96xf32, #tpu.memory_space<vmem>>, %arg8: memref<1x96xf32, #tpu.memory_space<vmem>>, %arg9: memref<2000x32xf32, #tpu.memory_space<vmem>>, %arg10: memref<2000x32xf32, #tpu.memory_space<vmem>>) attributes {dimension_semantics = [#tpu.dimension_semantics<arbitrary>], iteration_bounds = array<i64: 5>, scalar_prefetch = 0 : i64, scratch_operands = 0 : i64, tpu.core_type = #tpu.core_type<tc>, window_params = [{transform_indices = @transform_0, window_bounds = array<i64: 2000, 32>}, {transform_indices = @transform_1, window_bounds = array<i64: 2, 2000, 32>}, {pipeline_mode = #tpu.pipeline_mode<synchronous>, transform_indices = @transform_2, window_bounds = array<i64: 32, 32>}, {pipeline_mode = #tpu.pipeline_mode<synchronous>, transform_indices = @transform_3, window_bounds = array<i64: 32, 96>}, {pipeline_mode = #tpu.pipeline_mode<synchronous>, transform_indices = @transform_4, window_bounds = array<i64: 32, 96>}, {pipeline_mode = #tpu.pipeline_mode<synchronous>, transform_indices = @transform_5, window_bounds = array<i64: 1, 32>}, {pipeline_mode = #tpu.pipeline_mode<synchronous>, transform_indices = @transform_6, window_bounds = array<i64: 1, 96>}, {pipeline_mode = #tpu.pipeline_mode<synchronous>, transform_indices = @transform_7, window_bounds = array<i64: 1, 96>}, {transform_indices = @transform_8, window_bounds = array<i64: 2000, 32>}, {transform_indices = @transform_9, window_bounds = array<i64: 2000, 32>}]} {
    %get3A = arith.constant 0 : index
    %get3A_0 = arith.constant 0 : index
    %get3A_1 = vector.load %arg1[%get3A, %get3A_0] : memref<2000x32xf32, #tpu.memory_space<vmem>>, vector<2000x32xf32>
    %get3A_2 = arith.constant 0 : index
    %get3A_3 = arith.constant 0 : index
    %get3A_4 = arith.constant 0 : index
    %get3A_5 = vector.load %arg2[%get3A_2, %get3A_3, %get3A_4] : memref<2x2000x32xf32, #tpu.memory_space<vmem>>, vector<1x2000x32xf32>
    %get3A_6 = vector.shape_cast %get3A_5 : vector<1x2000x32xf32> to vector<2000x32xf32>
    %get3A_7 = arith.constant 1 : index
    %get3A_8 = arith.constant 0 : index
    %get3A_9 = arith.constant 0 : index
    %get3A_10 = vector.load %arg2[%get3A_7, %get3A_8, %get3A_9] : memref<2x2000x32xf32, #tpu.memory_space<vmem>>, vector<1x2000x32xf32>
    %get3A_11 = vector.shape_cast %get3A_10 : vector<1x2000x32xf32> to vector<2000x32xf32>
    %add3A = arith.addf %get3A_6, %get3A_11 : vector<2000x32xf32>
    %get3A_12 = arith.constant 0 : index
    %get3A_13 = arith.constant 0 : index
    %get3A_14 = vector.load %arg3[%get3A_12, %get3A_13] : memref<32x32xf32, #tpu.memory_space<vmem>>, vector<32x32xf32>
    %dot_general3A = arith.constant dense<0.000000e+00> : vector<2000x32xf32>
    %dot_general3A_15 = tpu.matmul %get3A_1, %get3A_14, %dot_general3A {dimension_numbers = #tpu.dot_dimension_numbers<[1], [0], [0], [1], [0, 0, 1, 1], [], []>, transpose_lhs_hint = false} : vector<2000x32xf32>, vector<32x32xf32>, vector<2000x32xf32> -> vector<2000x32xf32>
    %add3A_16 = arith.addf %dot_general3A_15, %add3A : vector<2000x32xf32>
    %get3A_17 = arith.constant 0 : index
    %get3A_18 = arith.constant 0 : index
    %get3A_19 = vector.load %arg6[%get3A_17, %get3A_18] : memref<1x32xf32, #tpu.memory_space<vmem>>, vector<1x32xf32>
    %add3A_20 = vector.broadcast %get3A_19 : vector<1x32xf32> to vector<2000x32xf32>
    %add3A_21 = arith.addf %add3A_16, %add3A_20 : vector<2000x32xf32>
    %gt3A = arith.constant 0.000000e+00 : f32
    %gt3A_22 = vector.broadcast %gt3A : f32 to vector<2000x32xf32>
    %gt3A_23 = arith.cmpf ogt, %add3A_21, %gt3A_22 : vector<2000x32xf32>
    %exp3A = math.exp %add3A_21 : vector<2000x32xf32>
    %sub3A = arith.constant 1.000000e+00 : f32
    %sub3A_24 = vector.broadcast %sub3A : f32 to vector<2000x32xf32>
    %sub3A_25 = arith.subf %exp3A, %sub3A_24 : vector<2000x32xf32>
    %select_n3A = arith.select %gt3A_23, %add3A_21, %sub3A_25 : vector<2000x32xi1>, vector<2000x32xf32>
    %get3A_26 = arith.constant 0 : index
    %get3A_27 = arith.constant 0 : index
    %get3A_28 = vector.load %arg4[%get3A_26, %get3A_27] : memref<32x96xf32, #tpu.memory_space<vmem>>, vector<32x96xf32>
    %dot_general3A_29 = arith.constant dense<0.000000e+00> : vector<2000x96xf32>
    %dot_general3A_30 = tpu.matmul %select_n3A, %get3A_28, %dot_general3A_29 {dimension_numbers = #tpu.dot_dimension_numbers<[1], [0], [0], [1], [0, 0, 1, 1], [], []>, transpose_lhs_hint = false} : vector<2000x32xf32>, vector<32x96xf32>, vector<2000x96xf32> -> vector<2000x96xf32>
    %get3A_31 = arith.constant 0 : index
    %get3A_32 = arith.constant 0 : index
    %get3A_33 = vector.load %arg7[%get3A_31, %get3A_32] : memref<1x96xf32, #tpu.memory_space<vmem>>, vector<1x96xf32>
    %add3A_34 = vector.broadcast %get3A_33 : vector<1x96xf32> to vector<2000x96xf32>
    %add3A_35 = arith.addf %dot_general3A_30, %add3A_34 : vector<2000x96xf32>
    %get3A_36 = arith.constant 0 : index
    %get3A_37 = arith.constant 0 : index
    %get3A_38 = vector.load %arg5[%get3A_36, %get3A_37] : memref<32x96xf32, #tpu.memory_space<vmem>>, vector<32x96xf32>
    %dot_general3A_39 = arith.constant dense<0.000000e+00> : vector<2000x96xf32>
    %dot_general3A_40 = tpu.matmul %get3A_1, %get3A_38, %dot_general3A_39 {dimension_numbers = #tpu.dot_dimension_numbers<[1], [0], [0], [1], [0, 0, 1, 1], [], []>, transpose_lhs_hint = false} : vector<2000x32xf32>, vector<32x96xf32>, vector<2000x96xf32> -> vector<2000x96xf32>
    %get3A_41 = arith.constant 0 : index
    %get3A_42 = arith.constant 0 : index
    %get3A_43 = vector.load %arg8[%get3A_41, %get3A_42] : memref<1x96xf32, #tpu.memory_space<vmem>>, vector<1x96xf32>
    %add3A_44 = vector.broadcast %get3A_43 : vector<1x96xf32> to vector<2000x96xf32>
    %add3A_45 = arith.addf %dot_general3A_40, %add3A_44 : vector<2000x96xf32>
    %slice3A = vector.extract_strided_slice %add3A_35 {offsets = [0, 0], sizes = [2000, 32], strides = [1, 1]} : vector<2000x96xf32> to vector<2000x32xf32>
    %slice3A_46 = vector.extract_strided_slice %add3A_35 {offsets = [0, 32], sizes = [2000, 32], strides = [1, 1]} : vector<2000x96xf32> to vector<2000x32xf32>
    %slice3A_47 = vector.extract_strided_slice %add3A_35 {offsets = [0, 64], sizes = [2000, 32], strides = [1, 1]} : vector<2000x96xf32> to vector<2000x32xf32>
    %slice3A_48 = vector.extract_strided_slice %add3A_45 {offsets = [0, 0], sizes = [2000, 32], strides = [1, 1]} : vector<2000x96xf32> to vector<2000x32xf32>
    %slice3A_49 = vector.extract_strided_slice %add3A_45 {offsets = [0, 32], sizes = [2000, 32], strides = [1, 1]} : vector<2000x96xf32> to vector<2000x32xf32>
    %slice3A_50 = vector.extract_strided_slice %add3A_45 {offsets = [0, 64], sizes = [2000, 32], strides = [1, 1]} : vector<2000x96xf32> to vector<2000x32xf32>
    %add3A_51 = arith.addf %slice3A, %slice3A_48 : vector<2000x32xf32>
    %neg3A = arith.constant 0.000000e+00 : f32
    %neg3A_52 = vector.broadcast %neg3A : f32 to vector<2000x32xf32>
    %neg3A_53 = arith.subf %neg3A_52, %add3A_51 : vector<2000x32xf32>
    %exp3A_54 = math.exp %neg3A_53 : vector<2000x32xf32>
    %add3A_55 = arith.constant 1.000000e+00 : f32
    %add3A_56 = vector.broadcast %add3A_55 : f32 to vector<2000x32xf32>
    %add3A_57 = arith.addf %add3A_56, %exp3A_54 : vector<2000x32xf32>
    %div3A = arith.constant 1.000000e+00 : f32
    %div3A_58 = vector.broadcast %div3A : f32 to vector<2000x32xf32>
    %div3A_59 = arith.divf %div3A_58, %add3A_57 : vector<2000x32xf32>
    %add3A_60 = arith.addf %slice3A_46, %slice3A_49 : vector<2000x32xf32>
    %neg3A_61 = arith.constant 0.000000e+00 : f32
    %neg3A_62 = vector.broadcast %neg3A_61 : f32 to vector<2000x32xf32>
    %neg3A_63 = arith.subf %neg3A_62, %add3A_60 : vector<2000x32xf32>
    %exp3A_64 = math.exp %neg3A_63 : vector<2000x32xf32>
    %add3A_65 = arith.constant 1.000000e+00 : f32
    %add3A_66 = vector.broadcast %add3A_65 : f32 to vector<2000x32xf32>
    %add3A_67 = arith.addf %add3A_66, %exp3A_64 : vector<2000x32xf32>
    %div3A_68 = arith.constant 1.000000e+00 : f32
    %div3A_69 = vector.broadcast %div3A_68 : f32 to vector<2000x32xf32>
    %div3A_70 = arith.divf %div3A_69, %add3A_67 : vector<2000x32xf32>
    %mul3A = arith.mulf %div3A_59, %slice3A_50 : vector<2000x32xf32>
    %add3A_71 = arith.addf %slice3A_47, %mul3A : vector<2000x32xf32>
    %tanh3A = math.tanh %add3A_71 : vector<2000x32xf32>
    %sub3A_72 = arith.constant 1.000000e+00 : f32
    %sub3A_73 = vector.broadcast %sub3A_72 : f32 to vector<2000x32xf32>
    %sub3A_74 = arith.subf %sub3A_73, %div3A_70 : vector<2000x32xf32>
    %mul3A_75 = arith.mulf %sub3A_74, %tanh3A : vector<2000x32xf32>
    %mul3A_76 = arith.mulf %div3A_70, %get3A_1 : vector<2000x32xf32>
    %add3A_77 = arith.addf %mul3A_75, %mul3A_76 : vector<2000x32xf32>
    %swap3A = arith.constant 0 : index
    %swap3A_78 = arith.constant 0 : index
    %swap3A_79 = vector.load %arg10[%swap3A, %swap3A_78] : memref<2000x32xf32, #tpu.memory_space<vmem>>, vector<2000x32xf32>
    tpu.vector_store %arg10[%swap3A, %swap3A_78], %add3A_77 {strides = array<i32>} : memref<2000x32xf32, #tpu.memory_space<vmem>>, vector<2000x32xf32>,
    %add3A_80 = arith.addf %add3A_77, %get3A_1 : vector<2000x32xf32>
    %max3A = arith.constant 0.000000e+00 : f32
    %max3A_81 = vector.broadcast %max3A : f32 to vector<2000x32xf32>
    %max3A_82 = arith.maximumf %add3A_80, %max3A_81 : vector<2000x32xf32>
    %swap3A_83 = arith.constant 0 : index
    %swap3A_84 = arith.constant 0 : index
    %swap3A_85 = vector.load %arg9[%swap3A_83, %swap3A_84] : memref<2000x32xf32, #tpu.memory_space<vmem>>, vector<2000x32xf32>
    tpu.vector_store %arg9[%swap3A_83, %swap3A_84], %max3A_82 {strides = array<i32>} : memref<2000x32xf32, #tpu.memory_space<vmem>>, vector<2000x32xf32>,
    return
  }
  func.func @transform_0(%arg0: i32) -> (i32, i32) {
    %c0_i32 = arith.constant 0 : i32
    %c0_i32_0 = arith.constant 0 : i32
    return %arg0, %c0_i32 : i32, i32
  }
  func.func @transform_1(%arg0: i32) -> (i32, i32, i32) {
    %c0_i32 = arith.constant 0 : i32
    %c0_i32_0 = arith.constant 0 : i32
    %c0_i32_1 = arith.constant 0 : i32
    return %c0_i32, %arg0, %c0_i32_0 : i32, i32, i32
  }
  func.func @transform_2(%arg0: i32) -> (i32, i32) {
    %c0_i32 = arith.constant 0 : i32
    %c0_i32_0 = arith.constant 0 : i32
    %c0_i32_1 = arith.constant 0 : i32
    return %c0_i32, %c0_i32_0 : i32, i32
  }
  func.func @transform_3(%arg0: i32) -> (i32, i32) {
    %c0_i32 = arith.constant 0 : i32
    %c0_i32_0 = arith.constant 0 : i32
    %c0_i32_1 = arith.constant 0 : i32
    return %c0_i32, %c0_i32_0 : i32, i32
  }
  func.func @transform_4(%arg0: i32) -> (i32, i32) {
    %c0_i32 = arith.constant 0 : i32
    %c0_i32_0 = arith.constant 0 : i32
    %c0_i32_1 = arith.constant 0 : i32
    return %c0_i32, %c0_i32_0 : i32, i32
  }
  func.func @transform_5(%arg0: i32) -> (i32, i32) {
    %c0_i32 = arith.constant 0 : i32
    %c0_i32_0 = arith.constant 0 : i32
    %c0_i32_1 = arith.constant 0 : i32
    return %c0_i32, %c0_i32_0 : i32, i32
  }
  func.func @transform_6(%arg0: i32) -> (i32, i32) {
    %c0_i32 = arith.constant 0 : i32
    %c0_i32_0 = arith.constant 0 : i32
    %c0_i32_1 = arith.constant 0 : i32
    return %c0_i32, %c0_i32_0 : i32, i32
  }
  func.func @transform_7(%arg0: i32) -> (i32, i32) {
    %c0_i32 = arith.constant 0 : i32
    %c0_i32_0 = arith.constant 0 : i32
    %c0_i32_1 = arith.constant 0 : i32
    return %c0_i32, %c0_i32_0 : i32, i32
  }
  func.func @transform_8(%arg0: i32) -> (i32, i32) {
    %c0_i32 = arith.constant 0 : i32
    %c0_i32_0 = arith.constant 0 : i32
    return %arg0, %c0_i32 : i32, i32
  }
  func.func @transform_9(%arg0: i32) -> (i32, i32) {
    %c0_i32 = arith.constant 0 : i32
    %c0_i32_0 = arith.constant 0 : i32
    return %arg0, %c0_i32 : i32, i32
  }
}

</mosaic_0001>

<sc_bundles>
// kernel: kernel.5.cloned.1.call-start
scs
__scs_entry_jumppad:
0x0: {  	(pc) =	sbr.rel $0x88, $3  }
0x1: {  	(tag) =	ssettag $0x0;
	lr =	simm.s32 $0x1  }
0x2: {  	[smem:$0x3F97] =	sst lr;
	_ =	strace $0xD0000000  }
0x3: {  	_ = 	snop  }
0x4: {  	_ = 	snop  }
0x5: {  	_ = 	snop  }
0x6: {  	_ = 	snop  }
0x7: {  	_ = 	snop  }
__scs_overlays_trampoline_lowered:
0x8: {  	[smem:$0x3FA6] =	sst s0  }
0x9: {  	[smem:$0x3FA7] =	sst s1  }
0xa: {  	[smem:$0x3FA8] =	sst s2  }
0xb: {  	[smem:$0x3FA9] =	sst s3  }
0xc: {  	[smem:$0x3FAA] =	sst s4  }
0xd: {  	[smem:$0x3FAB] =	sst s5  }
0xe: {  	[smem:$0x3FAC] =	sst s6  }
0xf: {  	[smem:$0x3FAD] =	sst s7  }
0x10: {  	[smem:$0x3FAE] =	sst s8  }
0x11: {  	[smem:$0x3FAF] =	sst s9;
	s0 =	simm.s32 @!p0 $0x0  }
0x12: {  	s1 =	sld [smem:$0x3F95];
	s0 =	simm.s32 @p0 $0x1  }
0x13: {  	[smem:$0x3FB0] =	sst s0;
	s0 =	simm.s32 @!p1 $0x0  }
0x14: {  	s2 =	sld [smem:$0x3F94];
	s0 =	simm.s32 @p1 $0x1  }
0x15: {  	[smem:$0x3FB1] =	sst s0;
	s0 =	simm.s32 @!p2 $0x0  }
0x16: {  	s3 =	sld [smem:$0x3FDB];
	s0 =	simm.s32 @p2 $0x1  }
0x17: {  	s4 =	simm.s32 $0x1BF5;
	[smem:$0x3FB3] =	sst s0  }
0x18: {  	s0 =	sld [smem:$0x3F96];
	_ =	swait.ge [sflag:s4], $0x0  }
0x19: {  	s7 =	sld [smem:$0x3F97]  }
0x1a: {  	s8 =	sadd.s32 $0xFFFFE003, lr  }
0x1b: {  	s9 =	sadd.s32 $0xFFFFFEF7, lr;
	s5 =	simm.s32 $0xFFFFFFFF;
	p2 =	slt.u32 s8, $0xFFFFF086  }
0x1c: {  	p1 =	slt.u32 s9, $0xF7A;
	s5 =	simm.s32 @!p2 $0x0  }
0x1d: {  	s5 =	simm.s32 @p1 $0x1;
	p0 =	seq.s32 s7, s2  }
0x1e: {  	s7 =	smul.u32 @!p0 $0xF7A, s2;
	p2 =	seq.s32 @!p0 s5, $0x0  }
0x1f: {  	s9 =	smul.u32 $0xF7A, s1;
	s8 =	simm.s32 @!p0 $0x1BF5;
	p2 =	por !p2, p0  }
0x20: {  	[sflag:s8] =	ssyncset.s32 @!p0 $0xFFFFF086;
	s6 =	sadd.s32 @!p0 s3, s7;
	s7 =	simm.s32 @!p0 $0x108  }
0x21: {  	s3 =	sadd.s32 s3, s9;
	s6 =	sadd.s32 @!p0 $0x88, s6;
	s7 =	simm.s32 @p2 $0x1082  }
0x22: {  	[simem:s7], [sflag:s8] =	dma.local @!p0 [hbm:s6], $0xF7A  }
0x23: {  	s9 =	sor.u32 $0xD0000000, s2;
	s6 =	simm.s32 $0x108;
	_ =	swait.ge @!p0 [sflag:s8], $0x0  }
0x24: {  	s3 =	sadd.s32 $0x88, s3;
	s6 =	simm.s32 @!p1 $0x1082;
	[sflag:s4] =	ssyncset.s32 $0xFFFFF086  }
0x25: {  	[simem:s6], [sflag:s4] =	dma.local [hbm:s3], $0xF7A  }
0x26: {  	[smem:$0x3F97] =	sst s1;
	(tag) =	ssettag s2;
	_ =	strace s9  }
0x27: {  	s1 =	sld [smem:$0x3FA7]  }
0x28: {  	s2 =	sld [smem:$0x3FA8]  }
0x29: {  	s4 =	sld [smem:$0x3FAA]  }
0x2a: {  	p0 =	seq.s32 s5, $0x0;
	s5 =	sld [smem:$0x3FAB]  }
0x2b: {  	s6 =	sld [smem:$0x3FAC]  }
0x2c: {  	s7 =	sld [smem:$0x3FAD]  }
0x2d: {  	s3 =	simm.s32 $0x108;
	s8 =	sld [smem:$0x3FAE]  }
0x2e: {  	s3 =	simm.s32 @!p0 $0x1082;
	s9 =	sld [smem:$0x3FAF]  }
0x2f: {  	lr =	sadd.s32 s0, s3;
	s0 =	sld [smem:$0x3FA6]  }
0x30: {  	s3 =	sld [smem:$0x3FA9]  }
0x31: {  	[smem:$0x3FB2] =	sst s10  }
0x32: {  	s10 =	sld [smem:$0x3FB0];
	_ =	sdelay $0x3  }
0x33: {  	p0 =	seq.s32 s10, $0x1;
	s10 =	sld [smem:$0x3FB2];
	_ =	sdelay $0x3  }
0x34: {  	[smem:$0x3FB2] =	sst s10  }
0x35: {  	s10 =	sld [smem:$0x3FB1];
	_ =	sdelay $0x3  }
0x36: {  	p1 =	seq.s32 s10, $0x1;
	s10 =	sld [smem:$0x3FB2];
	_ =	sdelay $0x3  }
0x37: {  	[smem:$0x3FB2] =	sst s10  }
0x38: {  	s10 =	sld [smem:$0x3FB3]  }
0x39: {  	_ = 	snop;
	(pc) =	sbr.ind lr, $3  }
0x3a: {  	_ = 	snop  }
0x3b: {  	_ = 	snop  }
0x3c: {  	p2 =	seq.s32 s10, $0x1;
	s10 =	sld [smem:$0x3FB2]  }
0x3d: {  	_ =	shalt  }
0x3e: {  	_ =	shalt  }
0x3f: {  	_ =	shalt  }
0x40: {  	_ =	shalt  }
0x41: {  	_ =	shalt  }
0x42: {  	_ =	shalt  }
0x43: {  	_ =	shalt  }
0x44: {  	_ =	shalt  }
0x45: {  	_ =	shalt  }
0x46: {  	_ =	shalt  }
0x47: {  	_ =	shalt  }
0x48: {  	_ =	shalt  }
0x49: {  	_ =	shalt  }
0x4a: {  	_ =	shalt  }
0x4b: {  	_ =	shalt  }
0x4c: {  	_ =	shalt  }
0x4d: {  	_ =	shalt  }
0x4e: {  	_ =	shalt  }
0x4f: {  	_ =	shalt  }
0x50: {  	_ =	shalt  }
0x51: {  	_ =	shalt  }
0x52: {  	_ =	shalt  }
0x53: {  	_ =	shalt  }
0x54: {  	_ =	shalt  }
0x55: {  	_ =	shalt  }
0x56: {  	_ =	shalt  }
0x57: {  	_ =	shalt  }
0x58: {  	_ =	shalt  }
0x59: {  	_ =	shalt  }
0x5a: {  	_ =	shalt  }
0x5b: {  	_ =	shalt  }
0x5c: {  	_ =	shalt  }
0x5d: {  	_ =	shalt  }
0x5e: {  	_ =	shalt  }
0x5f: {  	_ =	shalt  }
0x60: {  	_ =	shalt  }
0x61: {  	_ =	shalt  }
0x62: {  	_ =	shalt  }
0x63: {  	_ =	shalt  }
0x64: {  	_ =	shalt  }
0x65: {  	_ =	shalt  }
0x66: {  	_ =	shalt  }
0x67: {  	_ =	shalt  }
0x68: {  	_ =	shalt  }
0x69: {  	_ =	shalt  }
0x6a: {  	_ =	shalt  }
0x6b: {  	_ =	shalt  }
0x6c: {  	_ =	shalt  }
0x6d: {  	_ =	shalt  }
0x6e: {  	_ =	shalt  }
0x6f: {  	_ =	shalt  }
0x70: {  	_ =	shalt  }
0x71: {  	_ =	shalt  }
0x72: {  	_ =	shalt  }
0x73: {  	_ =	shalt  }
0x74: {  	_ =	shalt  }
0x75: {  	_ =	shalt  }
0x76: {  	_ =	shalt  }
0x77: {  	_ =	shalt  }
0x78: {  	_ =	shalt  }
0x79: {  	_ =	shalt  }
0x7a: {  	_ =	shalt  }
0x7b: {  	_ =	shalt  }
0x7c: {  	_ =	shalt  }
0x7d: {  	_ =	shalt  }
0x7e: {  	_ =	shalt  }
0x7f: {  	_ =	shalt  }
0x80: {  	_ =	shalt  }
0x81: {  	_ =	shalt  }
0x82: {  	_ =	shalt  }
0x83: {  	_ =	shalt  }
0x84: {  	_ =	shalt  }
0x85: {  	_ =	shalt  }
0x86: {  	_ =	shalt  }
0x87: {  	_ =	shalt  }
.Lfunc_end0:
.L_simem_size_0:
called_computation_lowered:
.L_overlay_start_0:
0x88: {  	s2 =	sld [smem:$0x3FD9]  }
0x89: {  	s3 =	sld [smem:$0x3FFE];
	_ =	sdelay $0x1  }
0x8a: {  	s1 =	srdreg.scid  }
0x8b: {  	s0 =	sand.u32 $0x1, s1  }
0x8c: {  	s14 =	sshll.u32 s0, $0xA;
	s2 =	sadd.s32 s3, s2  }
0x8d: {  	s2 =	sadd.s32 s2, s14  }
0x8e: {  	[smem:$0x3FBE] =	sst s2  }
0x8f: {  	_ = 	snop  }
0x90: {  	s2 =	sld [smem:$0x3FD0];
	_ =	sdelay $0x2  }
0x91: {  	s15 =	simm.s32 $0xA;
	s4 =	simm.s32 $0x10  }
0x92: {  	[smem:s4], [sflag:s15] =	dma.local [hbm:s2], $0x1  }
0x93: {  	_ =	swait.eq [sflag:s15], $0x1  }
0x94: {  	[sflag:s15] =	ssyncset.done $0x0  }
0x95: {  	s16 =	sld [smem:$0x10];
	[sflag:s15] =	ssyncadd.s32 $0xFFFFFFFF  }
0x96: {  	s17 =	sld [smem:$0x11];
	(tm) =	ssettm $0x1  }
0x97: {  	s18 =	sld [smem:$0x3FFB];
	_ =	sdelay $0x3  }
0x98: {  	_ =	strace s18  }
0x99: {  	s4 =	sld [smem:$0x3FFC];
	_ =	sdelay $0x3  }
0x9a: {  	_ =	strace s4  }
0x9b: {  	s4 =	sld [smem:$0x3FFD];
	_ =	sdelay $0x3  }
0x9c: {  	_ =	strace s4  }
0x9d: {  	_ =	strace $0x8FFFFFFF  }
0x9e: {  	s19 =	sld [smem:$0x3FDB];
	_ =	sdelay $0x1  }
0x9f: {  	s5 =	simm.s32 $_scs_section_size  }
0xa0: {  	s6 =	simm.s32 $_size__tile_overlayer_lowered;
	s7 =	simm.s32 $_tile_overlayer_lowered  }
0xa1: {  	s22 =	simm.s32 $0x1BFF;
	s21 =	sshll.u32 s7, $0x1;
	s4 =	sadd.s32 s5, s19  }
0xa2: {  	s8 =	simm.s32 $0x0;
	s20 =	sshll.u32 s6, $0x1;
	s6 =	sadd.s32 s21, s4  }
0xa3: {  	[timem:s8], [sflag:s22] =	dma.local [hbm:s6], s20  }
0xa4: {  	_ =	swait.ge [sflag:s22], s20  }
0xa5: {  	s5 =	ssub.s32 $0x0, s20;
	[sflag:s22] =	ssyncset.done $0x0  }
0xa6: {  	[sflag:s22] =	ssyncadd.s32 s5;
	_ =	sdelay $0x1  }
0xa7: {  	s23 =	simm.s32 $0x1B8B  }
0xa8: {  	_ =	swait.ge [sflag:s23], $0x1  }
0xa9: {  	[sflag:s23] =	ssyncset.done $0x0  }
0xaa: {  	s25 =	simm.s32 $0x1B8E;
	s24 =	sld [smem:$0x3FFE];
	[sflag:s23] =	ssyncadd.s32 $0xFFFFFFFF  }
0xab: {  	s26 =	simm.s32 $execute0_lowered;
	[smem:$0x3FD2] =	sst s25  }
0xac: {  	s6 =	sshll.u32 s26, $0x1;
	_ =	strace $0x80000046;
	[dreg:$0x1] =	wrdreg $0xFFFFFFFF  }
0xad: {  	s28 =	simm.s32 $_size_execute0_lowered;
	s4 =	sadd.s32 s4, s6;
	[dreg:$0x0] =	wrdreg $0x0  }
0xae: {  	s6 =	sshll.u32 s28, $0x1;
	[dreg:$0x2] =	wrdreg s4  }
0xaf: {  	[dreg:$0x3] =	wrdreg s6  }
0xb0: {  	[dreg:$0x4] =	wrdreg $0xC0  }
0xb1: {  	_ =	task [dreg:s8], $0x5FFFF  }
0xb2: {  	[dreg:$0x1] =	wrdreg $0xFFFFFFFF  }
0xb3: {  	[dreg:$0x0] =	wrdreg $0x60  }
0xb4: {  	[dreg:$0x2] =	wrdreg s24  }
0xb5: {  	[dreg:$0x3] =	wrdreg s16  }
0xb6: {  	[dreg:$0x4] =	wrdreg s17  }
0xb7: {  	[dreg:$0x5] =	wrdreg $0x79000  }
0xb8: {  	[dreg:$0x6] =	wrdreg $0x9  }
0xb9: {  	_ =	task.clear_ibuf [dreg:s8], $0x7FFFF;
	_ =	strace $0x90000046  }
0xba: {  	s29 =	simm.s32 $0x9;
	_ =	strace $0x80000048  }
0xbb: {  	_ =	swait.ge [sflag:s29], $0x1  }
0xbc: {  	[sflag:s29] =	ssyncadd.s32 $0xFFFFFFFF  }
0xbd: {  	_ =	strace $0x90000048  }
0xbe: {  	_ =	sfence  }
0xbf: {  	s30 =	sld [smem:$0x0];
	_ =	sdelay $0x2  }
0xc0: {  	s31 =	sshll.u32 s1, $0xD;
	s1 =	sshrl.u32 s1, $0x2  }
0xc1: {  	s3 =	sand.u32 $0x4000, s31;
	s1 =	sadd.s32 s1, s30  }
0xc2: {  	s0 =	sor.u32 s3, s0;
	s1 =	sshll.u32 s1, $0x11  }
0xc3: {  	s0 =	sor.u32 s1, s0  }
0xc4: {  	s0 =	sadd.s32 $0x8F2B, s0  }
0xc5: {  	[sflag:s0] =	ssyncadd.remote.s32 $0x1  }
0xc6: {  	_ =	sfence.sel $0xFFFF  }
0xc7: {  	[dreg:$0x0] =	wrdreg $0xFFFFFFFF;
	(pc) =	sbr.abs _section_cstart, $3  }
0xc8: {  	[dreg:$0x1] =	wrdreg $0xFFFFFFFF  }
0xc9: {  	_ =	task.clear_ibuf [dreg:s8], $0x2FFFF;
	_ =	strace $0x9FFFFFFF  }
0xca: {  	(tm) =	ssettm $0x7FFFFFFF  }
0xcb: {  	_ =	shalt  }
tec
execute0_lowered:
.L_overlay_start_1:
0x0: {  	(tag) =	ssettag $0x1  }
0x1: {  	s4 =	rddreg [dreg:$0x0]  }
0x2: {  	s10 =	rddreg [dreg:$0x1]  }
0x3: {  	s9 =	rddreg [dreg:$0x2];
	s0 =	stileid.u32  }
0x4: {  	s1 =	srdreg.scid;
	s6 =	smul.u32 $0x14000, s0  }
0x5: {  	s2 =	rddreg [dreg:$0x3];
	s12 =	smul.u32 $0x50000, s0  }
0x6: {  	s3 =	simm.s32 $0x0;
	s16 =	simm.s32 $0x6500;
	s14 =	smul.u32 $0x13880, s0  }
0x7: {  	s5 =	sand.u32 $0x1, s1;
	s1 =	rddreg [dreg:$0x4];
	s29 =	smul.u32 $0x1388, s0  }
0x8: {  	s17 =	simm.s32 $0x0;
	[smem:$0x7FF] =	sst s3;
	s7 =	smul.u32 $0x138800, s5  }
0x9: {  	s28 =	sshll.u32 s0, $0x6;
	s11 =	smul.u32 $0x140000, s5;
	_ =	strace $0x80000047  }
0xa: {  	s24 =	ssub.s32 $0x2, s5;
	s25 =	smul.u32 $0x13880, s5;
	s5 =	sor.u32 $0x1C01, s28  }
0xb: {  	s8 =	sshrl.u32 s6, $0x3;
	s13 =	sshrl.u32 s24, $0x1;
	s26 =	sshrl.u32 s12, $0x2  }
0xc: {  	s7 =	sadd.s32 s7, s4;
	s8 =	sadd.s32 s8, s4;
	s6 =	sadd.s32 s6, s11  }
0xd: {  	s11 =	ssub.s32 s24, s13;
	s15 =	sadd.s32 s26, s2;
	s12 =	sadd.s32 s29, s25  }
0xe: {  	s13 =	simm.s32 $0x80;
	s6 =	sshrl.u32 s6, $0x3;
	s30 =	sadd.s32 s14, s7  }
0xf: {  	s7 =	smax.u32 s11, $0x1;
	s31 =	sshrl.u32 s12, $0x3;
	s11 =	sshrl.u32 s15, $0x3  }
0x10: {  	s12 =	simm.s32 $0x1;
	s14 =	simm.s32 $0x100;
	s15 =	simm.s32 $0x28  }
0x11: {  	s6 =	sadd.s32 s6, s4;
	s4 =	sadd.s32 $0x30DE00, s8;
	s8 =	sadd.s32 $0xA00, s30  }
0x12: {  	s9 =	sadd.s32 s31, s9;
	s10 =	sadd.s32 s31, s10;
	s6 =	sadd.s32 $0x335E00, s6  }
.LBB2_1:
0x13: {  	[spmem:s11], [sflag:s5] =	dma.local [hbm:s4], $0x2800  }
0x14: {  	_ =	swait.ge [sflag:s12], $0x2800  }
0x15: {  	[sflag:s12] =	ssyncset.done $0x0  }
0x16: {  	[sflag:s12] =	ssyncadd.s32 $0xFFFFD800  }
0x17: {  	s18 =	smov.u32 s8;
	s19 =	simm.s32 $0x0;
	[bflag:$0x0] =	sbarrier.arrive $0xFFFF  }
.LBB2_2:
0x18: {  	s20 =	sadd.s32 s19, s10  }
0x19: {  	[tilespmem:s3], [sflag:$0x1] =	stream.linear.gather [hbm4b:s20+s3], $0x28, $0x38;
	[tilespmem:$0xC900] =	vst v63  }
0x1a: {  	_ =	swait.ge [sflag:s12], $0x28  }
0x1b: {  	[sflag:s12] =	ssyncset.done $0x0  }
0x1c: {  	s31 =	sadd.s32 s19, s9;
	[sflag:s12] =	ssyncadd.s32 $0xFFFFFFD8  }
0x1d: {  	[tilespmem:s13], [sflag:$0x1] =	stream.linear.gather [hbm4b:s31+s3], $0x28, $0x38;
	[tilespmem:$0xC900] =	vst v63  }
0x1e: {  	_ =	swait.ge [sflag:s12], $0x28  }
0x1f: {  	[sflag:s12] =	ssyncset.done $0x0  }
0x20: {  	[sflag:s12] =	ssyncadd.s32 $0xFFFFFFD8  }
0x21: {  	[tilespmem:s14], [sflag:$0x1] =	stream.linear.gather [hbm4b:s18+s3], $0x1400, $0x38;
	[tilespmem:$0xC900] =	vst v63  }
0x22: {  	_ =	swait.ge [sflag:s12], $0x1400  }
0x23: {  	[sflag:s12] =	ssyncset.done $0x0  }
0x24: {  	[sflag:s12] =	ssyncadd.s32 $0xFFFFEC00  }
0x25: {  	v0 =	vld [tilespmem:$0x1500]  }
0x26: {  	v1 =	vld [tilespmem:$0x1510]  }
0x27: {  	v2 =	vld [tilespmem:$0x1580]  }
0x28: {  	v3 =	vld [tilespmem:$0x1590]  }
0x29: {  	v4 =	vld [tilespmem:$0x1600]  }
0x2a: {  	v45 =	vld [tilespmem:$0x1610];
	[tilespmem:$0x6500] =	vst v0  }
0x2b: {  	v46 =	vld [tilespmem:$0x1680];
	[tilespmem:$0x6510] =	vst v1  }
0x2c: {  	v47 =	vld [tilespmem:$0x1690];
	[tilespmem:$0x6580] =	vst v2  }
0x2d: {  	v48 =	vld [tilespmem:$0x1700];
	[tilespmem:$0x6590] =	vst v3  }
0x2e: {  	v49 =	vld [tilespmem:$0x1710];
	[tilespmem:$0x6600] =	vst v4  }
0x2f: {  	v50 =	vld [tilespmem:$0x1780];
	[tilespmem:$0x6610] =	vst v45  }
0x30: {  	v51 =	vld [tilespmem:$0x1790];
	[tilespmem:$0x6680] =	vst v46  }
0x31: {  	v52 =	vld [tilespmem:$0x1800];
	[tilespmem:$0x6690] =	vst v47  }
0x32: {  	v53 =	vld [tilespmem:$0x1810];
	[tilespmem:$0x6700] =	vst v48  }
0x33: {  	v54 =	vld [tilespmem:$0x1880];
	[tilespmem:$0x6710] =	vst v49  }
0x34: {  	v55 =	vld [tilespmem:$0x1890];
	[tilespmem:$0x6780] =	vst v50  }
0x35: {  	v56 =	vld [tilespmem:$0x2500];
	[tilespmem:$0x6790] =	vst v51  }
0x36: {  	v57 =	vld [tilespmem:$0x2510];
	[tilespmem:$0x6800] =	vst v52  }
0x37: {  	v58 =	vld [tilespmem:$0x2580];
	[tilespmem:$0x6810] =	vst v53  }
0x38: {  	v59 =	vld [tilespmem:$0x2590];
	[tilespmem:$0x6880] =	vst v54  }
0x39: {  	v60 =	vld [tilespmem:$0x2600];
	[tilespmem:$0x6890] =	vst v55  }
0x3a: {  	v61 =	vld [tilespmem:$0x2610];
	[tilespmem:$0x6900] =	vst v56  }
0x3b: {  	v62 =	vld [tilespmem:$0x2680];
	[tilespmem:$0x6910] =	vst v57  }
0x3c: {  	v63 =	vld [tilespmem:$0x2690];
	[tilespmem:$0x6980] =	vst v58  }
0x3d: {  	v8 =	vld [tilespmem:$0x2700];
	[tilespmem:$0x6990] =	vst v59  }
0x3e: {  	v9 =	vld [tilespmem:$0x2710];
	[tilespmem:$0x6A00] =	vst v60  }
0x3f: {  	v10 =	vld [tilespmem:$0x2780];
	[tilespmem:$0x6A10] =	vst v61  }
0x40: {  	v11 =	vld [tilespmem:$0x2790];
	[tilespmem:$0x6A80] =	vst v62  }
0x41: {  	v12 =	vld [tilespmem:$0x2800];
	[tilespmem:$0x6A90] =	vst v63  }
0x42: {  	v13 =	vld [tilespmem:$0x2810];
	[tilespmem:$0x6B00] =	vst v8  }
0x43: {  	v14 =	vld [tilespmem:$0x2880];
	[tilespmem:$0x6B10] =	vst v9  }
0x44: {  	v15 =	vld [tilespmem:$0x2890];
	[tilespmem:$0x6B80] =	vst v10  }
0x45: {  	v16 =	vld [tilespmem:$0x3500];
	[tilespmem:$0x6B90] =	vst v11  }
0x46: {  	v17 =	vld [tilespmem:$0x3510];
	[tilespmem:$0x6C00] =	vst v12  }
0x47: {  	v18 =	vld [tilespmem:$0x3580];
	[tilespmem:$0x6C10] =	vst v13  }
0x48: {  	v19 =	vld [tilespmem:$0x3590];
	[tilespmem:$0x6C80] =	vst v14  }
0x49: {  	v20 =	vld [tilespmem:$0x3600];
	[tilespmem:$0x6C90] =	vst v15  }
0x4a: {  	v21 =	vld [tilespmem:$0x3610];
	[tilespmem:$0x6D00] =	vst v16  }
0x4b: {  	v22 =	vld [tilespmem:$0x3680];
	[tilespmem:$0x6D10] =	vst v17  }
0x4c: {  	v23 =	vld [tilespmem:$0x3690];
	[tilespmem:$0x6D80] =	vst v18  }
0x4d: {  	v24 =	vld [tilespmem:$0x3700];
	[tilespmem:$0x6D90] =	vst v19  }
0x4e: {  	v25 =	vld [tilespmem:$0x3710];
	[tilespmem:$0x6E00] =	vst v20  }
0x4f: {  	v26 =	vld [tilespmem:$0x3780];
	[tilespmem:$0x6E10] =	vst v21  }
0x50: {  	v27 =	vld [tilespmem:$0x3790];
	[tilespmem:$0x6E80] =	vst v22  }
0x51: {  	v28 =	vld [tilespmem:$0x3800];
	[tilespmem:$0x6E90] =	vst v23  }
0x52: {  	v29 =	vld [tilespmem:$0x3810];
	[tilespmem:$0x6F00] =	vst v24  }
0x53: {  	v30 =	vld [tilespmem:$0x3880];
	[tilespmem:$0x6F10] =	vst v25  }
0x54: {  	v31 =	vld [tilespmem:$0x3890];
	[tilespmem:$0x6F80] =	vst v26  }
0x55: {  	v32 =	vld [tilespmem:$0x4500];
	[tilespmem:$0x6F90] =	vst v27  }
0x56: {  	v33 =	vld [tilespmem:$0x4510];
	[tilespmem:$0x7000] =	vst v28  }
0x57: {  	v34 =	vld [tilespmem:$0x4580];
	[tilespmem:$0x7010] =	vst v29  }
0x58: {  	v35 =	vld [tilespmem:$0x4590];
	[tilespmem:$0x7080] =	vst v30  }
0x59: {  	v36 =	vld [tilespmem:$0x4600];
	[tilespmem:$0x7090] =	vst v31  }
0x5a: {  	v37 =	vld [tilespmem:$0x4610];
	[tilespmem:$0x7100] =	vst v32  }
0x5b: {  	v38 =	vld [tilespmem:$0x4680];
	[tilespmem:$0x7110] =	vst v33  }
0x5c: {  	v39 =	vld [tilespmem:$0x4690];
	[tilespmem:$0x7180] =	vst v34  }
0x5d: {  	v40 =	vld [tilespmem:$0x4700];
	[tilespmem:$0x7190] =	vst v35  }
0x5e: {  	v41 =	vld [tilespmem:$0x4710];
	[tilespmem:$0x7200] =	vst v36  }
0x5f: {  	v42 =	vld [tilespmem:$0x4780];
	[tilespmem:$0x7210] =	vst v37  }
0x60: {  	v43 =	vld [tilespmem:$0x4790];
	[tilespmem:$0x7280] =	vst v38  }
0x61: {  	v44 =	vld [tilespmem:$0x4800];
	[tilespmem:$0x7290] =	vst v39  }
0x62: {  	[tilespmem:$0x7300] =	vst v40;
	v45 =	vld [tilespmem:$0x4810]  }
0x63: {  	[tilespmem:$0x7310] =	vst v41;
	v46 =	vld [tilespmem:$0x4880]  }
0x64: {  	[tilespmem:$0x7380] =	vst v42;
	v47 =	vld [tilespmem:$0x4890]  }
0x65: {  	[tilespmem:$0x7390] =	vst v43;
	v48 =	vld [tilespmem:$0x5500]  }
0x66: {  	[tilespmem:$0x7400] =	vst v44;
	v49 =	vld [tilespmem:$0x5510]  }
0x67: {  	v50 =	vld [tilespmem:$0x5580];
	[tilespmem:$0x7410] =	vst v45  }
0x68: {  	v51 =	vld [tilespmem:$0x5590];
	[tilespmem:$0x7480] =	vst v46  }
0x69: {  	v52 =	vld [tilespmem:$0x5600];
	[tilespmem:$0x7490] =	vst v47  }
0x6a: {  	v53 =	vld [tilespmem:$0x5610];
	[tilespmem:$0x7500] =	vst v48  }
0x6b: {  	v54 =	vld [tilespmem:$0x5680];
	[tilespmem:$0x7510] =	vst v49  }
0x6c: {  	v55 =	vld [tilespmem:$0x5690];
	[tilespmem:$0x7580] =	vst v50  }
0x6d: {  	v56 =	vld [tilespmem:$0x5700];
	[tilespmem:$0x7590] =	vst v51  }
0x6e: {  	v57 =	vld [tilespmem:$0x5710];
	[tilespmem:$0x7600] =	vst v52  }
0x6f: {  	v58 =	vld [tilespmem:$0x5780];
	[tilespmem:$0x7610] =	vst v53  }
0x70: {  	v59 =	vld [tilespmem:$0x5790];
	[tilespmem:$0x7680] =	vst v54  }
0x71: {  	v60 =	vld [tilespmem:$0x5800];
	[tilespmem:$0x7690] =	vst v55  }
0x72: {  	v61 =	vld [tilespmem:$0x5810];
	[tilespmem:$0x7700] =	vst v56  }
0x73: {  	v62 =	vld [tilespmem:$0x5880];
	[tilespmem:$0x7710] =	vst v57  }
0x74: {  	v63 =	vld [tilespmem:$0x5890];
	[tilespmem:$0x7780] =	vst v58  }
0x75: {  	[tilespmem:$0x7790] =	vst v59  }
0x76: {  	[tilespmem:$0x7800] =	vst v60  }
0x77: {  	[tilespmem:$0x7810] =	vst v61  }
0x78: {  	p0 =	sne.s32 s19, $0x26C;
	[tilespmem:$0x7880] =	vst v62  }
.Ltmp0:
0x79: {  	[tilespmem:$0x7890] =	vst v63;
	(pc) =	sbr.rel @p0 .LBB2_2-.Ltmp0, $4  }
0x7a: {  	[spmem:s2] =	stream.indirect.scatter.add.f32 [tilespmem:s16], [sflag:$0x1], $0x20, s13, s15, $0xb8;
	[tilespmem:$0xC900] =	vst v63  }
0x7b: {  	_ =	swait.ge [sflag:s12], $0x500  }
0x7c: {  	[sflag:s12] =	ssyncset.done $0x0  }
0x7d: {  	s19 =	sadd.s32 $0x5, s19;
	s18 =	sadd.s32 $0x280, s18;
	[sflag:s12] =	ssyncadd.s32 $0xFFFFFB00  }
0x7e: {  	s17 =	sadd.s32 $0x1, s17  }
0x7f: {  	p0 =	sne.s32 s17, s7  }
.Ltmp1:
0x80: {  	[bflag:$0x0] =	sbarrier.arrive $0xFFFF;
	(pc) =	sbr.rel @p0 .LBB2_1-.Ltmp1, $4  }
0x81: {  	[hbm:s6], [sflag:s5] =	dma.local [spmem:s11], $0x2800  }
0x82: {  	_ =	swait.ge [sflag:s12], $0x2800  }
0x83: {  	[sflag:s12] =	ssyncset.done $0x0  }
0x84: {  	[sflag:s12] =	ssyncadd.s32 $0xFFFFD800  }
0x85: {  	_ =	sfence.sel $0x180000  }
0x86: {  	[bflag:$0x0] =	sbarrier.arrive $0xFFFF  }
0x87: {  	p0 =	sne.s32 s0, $0x0;
	_ =	strace $0x90000047  }
0x88: {  	s0 =	sadd.s32 @!p0 $0x100000, s1;
	[bflag:$0x2] =	sbarrier.arrive $0xFFFF  }
0x89: {  	[sflag:s0] =	ssyncadd.tile.s32 @!p0 $0x1;
	_ =	shalt  }
.Lfunc_end2:
_tile_overlayer_lowered:
.L_overlay_start_2:
0x8a: {  	(tag) =	ssettag $0x2  }
0x8b: {  	s0 =	rddreg [dreg:$0x0];
	s2 =	stileid.u32  }
0x8c: {  	s1 =	rddreg [dreg:$0x1];
	p0 =	sne.s32 s2, $0x0  }
0x8d: {  	s3 =	rddreg [dreg:$0x2];
	[bflag:$0x3] =	sbarrier.arrive $0xFFFF;
	s2 =	simm.s32 @!p0 $0x1C01  }
0x8e: {  	[timem:s3], [sflag:s2] =	dma.local @!p0 [hbm:s0], s1  }
0x8f: {  	s0 =	simm.s32 @!p0 $0x1  }
0x90: {  	_ =	swait.ge @!p0 [sflag:s0], s1  }
0x91: {  	s1 =	ssub.s32 @!p0 $0x0, s1;
	[sflag:s0] =	ssyncset.done @!p0 $0x0  }
0x92: {  	[sflag:s0] =	ssyncadd.s32 @!p0 s1  }
0x93: {  	[bflag:$0x3] =	sbarrier.arrive $0xFFFF  }
0x94: {  	_ =	shalt  }

</sc_bundles>
